<compile_context>
chip_gen: v7x
topology: tpu7x:2x2x1
jax: 0.10.2.dev20260603
libtpu: 0.0.44.dev20260713+nightly
codegen_flags: <defaults>
</compile_context>

<pallas_src>
import functools
import math

import jax
import jax.numpy as jnp
from jax.experimental import pallas as pl
import jax.experimental.pallas.tpu as pltpu
from jax.experimental.pallas import tpu_sc as plsc

D_TIME = 2048
NUM_EXPERTS = 4
N_FOURIER = 32
N_GAUSS = 32
N_WAVELET = 32
SPLINE_NUM = 5
SPLINE_K = 3
BN = 512
K_FEAT = 144
K_AUG = 152
H_W = 256

_NEG_INF = float("-inf")

_SC_NC = 2
_SC_NS = 16
_SC_NW = _SC_NC * _SC_NS
_SC_L = 16


def _router_sc(x_hbm, p_hbm, raw_hbm, mask_hbm, xv, pv, rawv, maskv):
    wid = jax.lax.axis_index("s") * _SC_NC + jax.lax.axis_index("c")
    chunk = xv.shape[0]
    pltpu.sync_copy(x_hbm.at[pl.ds(wid * chunk, chunk)], xv)
    pltpu.sync_copy(p_hbm, pv)
    w = [pv[e, :] for e in range(NUM_EXPERTS)]
    b = [pv[NUM_EXPERTS + e, :] for e in range(NUM_EXPERTS)]

    def body(i, carry):
        sl = pl.ds(i * _SC_L, _SC_L)
        x = xv[sl]
        l = [x * w[e] + b[e] for e in range(NUM_EXPERTS)]
        m = jnp.maximum(jnp.maximum(l[0], l[1]), jnp.maximum(l[2], l[3]))
        ex = [jnp.exp(l[e] - m) for e in range(NUM_EXPERTS)]
        tot = (ex[0] + ex[1]) + (ex[2] + ex[3])
        r = [ex[e] / tot for e in range(NUM_EXPERTS)]
        v1 = jnp.maximum(jnp.maximum(r[0], r[1]), jnp.maximum(r[2], r[3]))
        i1 = jnp.where(r[0] == v1, 0.0,
                       jnp.where(r[1] == v1, 1.0,
                                 jnp.where(r[2] == v1, 2.0, 3.0)))
        q = [jnp.where(i1 == float(e), -1.0, r[e])
             for e in range(NUM_EXPERTS)]
        v2 = jnp.maximum(jnp.maximum(q[0], q[1]), jnp.maximum(q[2], q[3]))
        i2 = jnp.where(q[0] == v2, 0.0,
                       jnp.where(q[1] == v2, 1.0,
                                 jnp.where(q[2] == v2, 2.0, 3.0)))
        for e in range(NUM_EXPERTS):
            rawv[e, sl] = r[e]
            maskv[e, sl] = jnp.where(
                (i1 == float(e)) | (i2 == float(e)), 1.0, 0.0)
        return carry

    jax.lax.fori_loop(0, chunk // _SC_L, body, 0)
    pltpu.sync_copy(rawv, raw_hbm.at[wid])
    pltpu.sync_copy(maskv, mask_hbm.at[wid])


def _moe_block(t_ref, wr_ref, br_ref, a_ref, b0_ref, m_ref, h_ref,
               wbig_ref, out_ref):
    x = t_ref[:, :]

    logits = x * wr_ref[:, :] + br_ref[:, :]
    mx = jnp.max(logits, axis=-1, keepdims=True)
    ex = jnp.exp(logits - mx)
    raw = ex / jnp.sum(ex, axis=-1, keepdims=True)

    col4 = jax.lax.broadcasted_iota(jnp.int32, raw.shape, 1)
    v1 = jnp.max(raw, axis=-1, keepdims=True)
    i1 = jnp.min(jnp.where(raw == v1, col4, NUM_EXPERTS), axis=-1, keepdims=True)
    raw2 = jnp.where(col4 == i1, _NEG_INF, raw)
    v2 = jnp.max(raw2, axis=-1, keepdims=True)
    i2 = jnp.min(jnp.where(raw2 == v2, col4, NUM_EXPERTS), axis=-1, keepdims=True)

    is1 = col4 == i1
    is2 = col4 == i2

    e2 = jnp.exp(v2 - v1)
    w1 = 1.0 / (1.0 + e2)
    w2 = e2 / (1.0 + e2)
    disp = jnp.where(is1, w1, 0.0) + jnp.where(is2, w2, 0.0)

    z = x * a_ref[:, :] + b0_ref[:, :]
    s = jnp.sin(z)
    z2 = z * z
    e = jnp.exp(z2 * m_ref[:, :])
    wavelet = (z2 - 1.0) * e
    lane = jax.lax.broadcasted_iota(jnp.int32, z.shape, 1)
    feat1 = jnp.where(lane < 64, s, jnp.where(lane < 96, e, wavelet))
    wsel = jnp.where(lane < 64, disp[:, 0:1],
                     jnp.where(lane < 96, disp[:, 2:3], disp[:, 3:4]))
    feat1 = feat1 * wsel

    h = 2.0 / SPLINE_NUM
    n_knots = SPLINE_NUM + 2 * SPLINE_K + 1

    def knots(offset, length):
        i = jax.lax.broadcasted_iota(
            jnp.int32, (1, length), 1).astype(jnp.float32)
        return (i + (offset - SPLINE_K)) * h - 1.0

    bases = ((x >= knots(0, n_knots - 1)) &
             (x < knots(1, n_knots - 1))).astype(jnp.float32)
    for d in range(1, SPLINE_K + 1):
        width = n_knots - 1 - d
        left = (x - knots(0, width)) * (1.0 / (d * h)) * bases[:, :-1]
        right = (knots(d + 1, width) - x) * (1.0 / (d * h)) * bases[:, 1:]
        bases = left + right
    silu = x * jax.nn.sigmoid(x)
    w_s = disp[:, 1:2]
    feat2 = jnp.concatenate(
        [silu * w_s, bases * w_s,
         jnp.zeros((x.shape[0], K_FEAT - 128 - 9), jnp.float32)], axis=-1)

    feat = jnp.concatenate([feat1, feat2], axis=-1)

    y2 = jnp.dot(feat, h_ref[:, :], preferred_element_type=jnp.float32)
    mu = y2[:, K_FEAT:K_FEAT + 1] * (1.0 / D_TIME)
    sumsq = jnp.sum(feat * y2[:, :K_FEAT], axis=-1, keepdims=True)
    var = sumsq * (1.0 / D_TIME) - mu * mu
    s = jax.lax.rsqrt(var + 1e-5)

    feat_aug = jnp.concatenate(
        [feat * s, -s * mu, jnp.ones((x.shape[0], 1), jnp.float32),
         jnp.zeros((x.shape[0], K_AUG - K_FEAT - 2), jnp.float32)], axis=-1)
    out_ref[:, :] = jnp.dot(feat_aug, wbig_ref[:, :],
                            preferred_element_type=jnp.float32)


@functools.partial(jax.jit, static_argnames=())
def kernel(timestamp_input, W_router, b_router, W_fourier, gauss_centers,
           W_gauss, wave_trans, wave_scales, W_wave, spline_coef, base_w,
           ln_gamma, ln_beta):
    n = timestamp_input.shape[0]
    f32 = jnp.float32

    freqs = jnp.arange(1, N_FOURIER + 1, dtype=f32)
    inv_scale = 1.0 / wave_scales
    lane_a = jnp.concatenate(
        [freqs, freqs, jnp.ones((N_GAUSS,), f32), inv_scale])[None, :]
    lane_b = jnp.concatenate(
        [jnp.zeros((N_FOURIER,), f32),
         jnp.full((N_FOURIER,), math.pi / 2, f32),
         -gauss_centers,
         -wave_trans * inv_scale])[None, :]
    lane_m = jnp.concatenate(
        [jnp.zeros((2 * N_FOURIER,), f32),
         jnp.full((N_GAUSS,), -1.0, f32),
         jnp.full((N_WAVELET,), -0.5, f32)])[None, :]

    w_all = jnp.concatenate(
        [W_fourier[:N_FOURIER], W_fourier[N_FOURIER:], W_gauss, W_wave,
         base_w, spline_coef,
         jnp.zeros((K_FEAT - 128 - 9, D_TIME), f32)], axis=0)

    gram = jnp.dot(w_all, w_all.T,
                   precision=jax.lax.Precision.HIGHEST)
    w_rowsum = jnp.sum(w_all, axis=1, keepdims=True)
    h_mat = jnp.concatenate(
        [gram, w_rowsum, jnp.zeros((K_FEAT, H_W - K_FEAT - 1), f32)], axis=1)
    w_big = jnp.concatenate(
        [w_all * ln_gamma[None, :], ln_gamma[None, :], ln_beta[None, :],
         jnp.zeros((K_AUG - K_FEAT - 2, D_TIME), f32)], axis=0)

    grid = (n // BN,)
    full = lambda shape: pl.BlockSpec(shape, lambda i: (0, 0))
    row = lambda w: pl.BlockSpec((BN, w), lambda i: (i, 0))

    out = pl.pallas_call(
        _moe_block,
        grid=grid,
        in_specs=[
            row(1),
            full((1, NUM_EXPERTS)),
            full((1, NUM_EXPERTS)),
            full((1, 128)),
            full((1, 128)),
            full((1, 128)),
            full((K_FEAT, H_W)),
            full((K_AUG, D_TIME)),
        ],
        out_specs=row(D_TIME),
        compiler_params=pltpu.CompilerParams(
            dimension_semantics=("parallel",)),
        out_shape=jax.ShapeDtypeStruct((n, D_TIME), f32),
    )(
        timestamp_input,
        W_router,
        b_router.reshape(1, NUM_EXPERTS),
        lane_a,
        lane_b,
        lane_m,
        h_mat,
        w_big,
    )

    chunk = n // _SC_NW
    p_router = jnp.concatenate(
        [jnp.repeat(W_router.reshape(NUM_EXPERTS, 1), _SC_L, axis=1),
         jnp.repeat(b_router.reshape(NUM_EXPERTS, 1), _SC_L, axis=1)], axis=0)
    router = functools.partial(
        pl.kernel,
        mesh=plsc.VectorSubcoreMesh(core_axis_name="c", subcore_axis_name="s"),
        out_type=[
            jax.ShapeDtypeStruct((_SC_NW, NUM_EXPERTS, chunk), f32),
            jax.ShapeDtypeStruct((_SC_NW, NUM_EXPERTS, chunk), f32),
        ],
        scratch_types=[
            pltpu.VMEM((chunk,), f32),
            pltpu.VMEM((2 * NUM_EXPERTS, _SC_L), f32),
            pltpu.VMEM((NUM_EXPERTS, chunk), f32),
            pltpu.VMEM((NUM_EXPERTS, chunk), f32),
        ],
    )(_router_sc)
    raw3, mask3 = router(timestamp_input.reshape(n), p_router)
    raw = jnp.transpose(raw3, (0, 2, 1)).reshape(n, NUM_EXPERTS)
    mask = jnp.transpose(mask3, (0, 2, 1)).reshape(n, NUM_EXPERTS) != 0.0
    return out, raw, mask

# --- scband reference (transcript-rebuilt; emitter-appended) ---
"""Pipeline reference for scband-k-mote-21904333209603 (READ-ONLY COPY).

The authoritative reference and input builder live on the scoring server;
editing this copy changes nothing except your own understanding.
"""

import jax, jax.numpy as jnp
import numpy as np

D_TIME = 2048
NUM_EXPERTS = 4
K_TOP = 2
N_FOURIER = 32
N_GAUSS = 32
N_WAVELET = 32
SPLINE_NUM = 5
SPLINE_K = 3
N_TOKENS = 16384


def _layer_norm(x, g, b, eps=1e-5):
    mu = x.mean(-1, keepdims=True)
    var = x.var(-1, keepdims=True)
    return (x - mu) / jnp.sqrt(var + eps) * g + b


def _bspline_basis(x):
    # Cox-de Boor recursion, uniform grid on [-1,1] with SPLINE_NUM intervals, degree SPLINE_K
    h = 2.0 / SPLINE_NUM
    grid = jnp.arange(-SPLINE_K, SPLINE_NUM + SPLINE_K + 1, dtype=jnp.float32) * h - 1.0
    xe = x[:, None]
    bases = ((xe >= grid[:-1]) & (xe < grid[1:])).astype(jnp.float32)
    for d in range(1, SPLINE_K + 1):
        left = (xe - grid[:-(d + 1)]) / (grid[d:-1] - grid[:-(d + 1)]) * bases[:, :-1]
        right = (grid[d + 1:] - xe) / (grid[d + 1:] - grid[1:-d]) * bases[:, 1:]
        bases = left + right
    return bases  # [N, SPLINE_NUM + SPLINE_K]


def setup_inputs(seed: int = 0) -> dict:
    key = jax.random.key(seed)
    ks = jax.random.split(key, 12)
    inp = {}
    inp["timestamp_input"] = jax.random.normal(ks[0], (N_TOKENS, 1), dtype=jnp.float32)
    inp["W_router"] = jax.random.normal(ks[1], (1, NUM_EXPERTS), dtype=jnp.float32) * 0.5
    inp["b_router"] = jnp.zeros((NUM_EXPERTS,), dtype=jnp.float32)
    inp["W_fourier"] = jax.random.normal(ks[2], (2 * N_FOURIER, D_TIME), dtype=jnp.float32) * (1.0 / np.sqrt(2 * N_FOURIER))
    inp["gauss_centers"] = jnp.linspace(-3.0, 3.0, N_GAUSS).astype(jnp.float32)
    inp["W_gauss"] = jax.random.normal(ks[3], (N_GAUSS, D_TIME), dtype=jnp.float32) * (1.0 / np.sqrt(N_GAUSS))
    inp["wave_trans"] = jnp.linspace(-3.0, 3.0, N_WAVELET).astype(jnp.float32)
    inp["wave_scales"] = jnp.ones((N_WAVELET,), dtype=jnp.float32)
    inp["W_wave"] = jax.random.normal(ks[4], (N_WAVELET, D_TIME), dtype=jnp.float32) * (1.0 / np.sqrt(N_WAVELET))
    inp["spline_coef"] = jax.random.normal(ks[5], (SPLINE_NUM + SPLINE_K, D_TIME), dtype=jnp.float32) * 0.1
    inp["base_w"] = jax.random.normal(ks[6], (1, D_TIME), dtype=jnp.float32)
    inp["ln_gamma"] = jnp.ones((D_TIME,), dtype=jnp.float32)
    inp["ln_beta"] = jnp.zeros((D_TIME,), dtype=jnp.float32)
    return inp


def reference(timestamp_input, W_router, b_router, W_fourier, gauss_centers, W_gauss, wave_trans, wave_scales, W_wave, spline_coef, base_w, ln_gamma, ln_beta):
    t = timestamp_input  # [N, 1]
    x = t[:, 0]          # [N]
    n = t.shape[0]
    # router
    logits = t @ W_router + b_router
    raw_weights = jax.nn.softmax(logits, axis=-1)
    # top-k dispatch (K_TOP < NUM_EXPERTS branch)
    topk_w, topk_i = jax.lax.top_k(raw_weights, K_TOP)
    topk_w = jax.nn.softmax(topk_w, axis=-1)
    rows = jnp.arange(n)[:, None]
    expert_selection_mask = jnp.zeros_like(raw_weights, dtype=bool).at[rows, topk_i].set(True)
    dispatch_weights = jnp.zeros_like(raw_weights).at[rows, topk_i].set(topk_w)
    # expert 0: fourier KANLayer
    freqs = jnp.arange(1, N_FOURIER + 1, dtype=jnp.float32)
    ang = x[:, None] * freqs[None, :]
    feat_f = jnp.concatenate([jnp.sin(ang), jnp.cos(ang)], axis=-1)
    out_fourier = feat_f @ W_fourier
    # expert 1: spline MatrixKANLayer (base silu branch + b-spline branch); returns tuple, take [0]
    basis = _bspline_basis(x)
    out_spline = jax.nn.silu(t) @ base_w + basis @ spline_coef
    # expert 2: rkhs_gaussian KANLayer
    phi = jnp.exp(-((x[:, None] - gauss_centers[None, :]) ** 2))
    out_gauss = phi @ W_gauss
    # expert 3: wavelet KANLayer (mexican hat)
    u = (x[:, None] - wave_trans[None, :]) / wave_scales[None, :]
    psi = (u ** 2 - 1.0) * jnp.exp(-0.5 * u ** 2)
    out_wave = psi @ W_wave
    all_expert_outputs = jnp.stack([out_fourier, out_spline, out_gauss, out_wave], axis=1)  # [N, 4, D]
    combined = (all_expert_outputs * dispatch_weights[:, :, None]).sum(axis=1)
    final_embedding = _layer_norm(combined, ln_gamma, ln_beta)
    return (final_embedding, raw_weights, expert_selection_mask)

if __name__ == "__main__":
    import jax
    _d = setup_inputs()
    print(jax.jit(kernel)(*tuple(_d.values())))

</pallas_src>

<mosaic_0001>
#map = affine_map<(d0, d1) -> (0)>
#map1 = affine_map<(d0, d1) -> (0, 0)>
#map2 = affine_map<(d0, d1) -> (0, 0, 0)>
module attributes {stable_mosaic.version = 14 : i64} {
  func.func @_router_sc(%arg0: i32, %arg1: i32, %arg2: memref<16384xf32, #tpu.memory_space<hbm>>, %arg3: memref<8x16xf32, #tpu.memory_space<hbm>>, %arg4: memref<32x4x512xf32, #tpu.memory_space<hbm>>, %arg5: memref<32x4x512xf32, #tpu.memory_space<hbm>>, %arg6: memref<512xf32, #tpu.memory_space<vmem>>, %arg7: memref<8x16xf32, #tpu.memory_space<vmem>>, %arg8: memref<4x512xf32, #tpu.memory_space<vmem>>, %arg9: memref<4x512xf32, #tpu.memory_space<vmem>>) attributes {dimension_semantics = [#tpu.dimension_semantics<core_parallel>, #tpu.dimension_semantics<subcore_parallel>], iteration_bounds = array<i64: 2, 16>, scalar_prefetch = 0 : i64, scratch_operands = 4 : i64, tpu.core_type = #tpu.core_type<sc_vector_subcore>, window_params = [{transform_indices = #map}, {transform_indices = #map1}, {transform_indices = #map2}, {transform_indices = #map2}]} {
    %mul3A = arith.constant 2 : i32
    %mul3A_0 = arith.muli %arg1, %mul3A : i32
    %add3A = arith.addi %mul3A_0, %arg0 : i32
    %mul3A_1 = arith.constant 512 : i32
    %mul3A_2 = arith.muli %add3A, %mul3A_1 : i32
    "tpu.region"() ({
      %run_scoped3A = tpu.sem_alloc : memref<!tpu.dma_semaphore, #tpu.memory_space<semaphore_mem>>
      %dma_start3A = tpu.memref_slice %arg2[%mul3A_2] : memref<16384xf32, #tpu.memory_space<hbm>> -> memref<512xf32, #tpu.memory_space<hbm>>
      %dma_start3A_47 = tpu.memref_slice %arg2[%mul3A_2] : memref<16384xf32, #tpu.memory_space<hbm>> -> memref<512xf32, #tpu.memory_space<hbm>>
      tpu.enqueue_dma source(%dma_start3A_47 : memref<512xf32, #tpu.memory_space<hbm>>) target(%arg6 : memref<512xf32, #tpu.memory_space<vmem>>) target_semaphore(%run_scoped3A : memref<!tpu.dma_semaphore, #tpu.memory_space<semaphore_mem>>)
      %dma_wait3A = tpu.memref_slice %arg2[%mul3A_2] : memref<16384xf32, #tpu.memory_space<hbm>> -> memref<512xf32, #tpu.memory_space<hbm>>
      %dma_wait3A_48 = tpu.memref_slice %arg2[%mul3A_2] : memref<16384xf32, #tpu.memory_space<hbm>> -> memref<512xf32, #tpu.memory_space<hbm>>
      tpu.wait_dma2 semaphore(%run_scoped3A : memref<!tpu.dma_semaphore, #tpu.memory_space<semaphore_mem>>) src(%dma_wait3A_48 : memref<512xf32, #tpu.memory_space<hbm>>) dst(%arg6 : memref<512xf32, #tpu.memory_space<vmem>>)
      tpu.yield
    }) : () -> ()
    "tpu.region"() ({
      %run_scoped3A = tpu.sem_alloc : memref<!tpu.dma_semaphore, #tpu.memory_space<semaphore_mem>>
      tpu.enqueue_dma source(%arg3 : memref<8x16xf32, #tpu.memory_space<hbm>>) target(%arg7 : memref<8x16xf32, #tpu.memory_space<vmem>>) target_semaphore(%run_scoped3A : memref<!tpu.dma_semaphore, #tpu.memory_space<semaphore_mem>>)
      tpu.wait_dma2 semaphore(%run_scoped3A : memref<!tpu.dma_semaphore, #tpu.memory_space<semaphore_mem>>) src(%arg3 : memref<8x16xf32, #tpu.memory_space<hbm>>) dst(%arg7 : memref<8x16xf32, #tpu.memory_space<vmem>>)
      tpu.yield
    }) : () -> ()
    %get3A = arith.constant 0 : i32
    %get3A_3 = arith.index_cast %get3A : i32 to index
    %get3A_4 = arith.constant 0 : index
    %get3A_5 = tpu.vector_load %arg7[%get3A_3, %get3A_4] {strides = array<i32>} : memref<8x16xf32, #tpu.memory_space<vmem>>, vector<1x16xf32>,
    %get3A_6 = vector.shape_cast %get3A_5 : vector<1x16xf32> to vector<16xf32>
    %get3A_7 = arith.constant 1 : i32
    %get3A_8 = arith.index_cast %get3A_7 : i32 to index
    %get3A_9 = arith.constant 0 : index
    %get3A_10 = tpu.vector_load %arg7[%get3A_8, %get3A_9] {strides = array<i32>} : memref<8x16xf32, #tpu.memory_space<vmem>>, vector<1x16xf32>,
    %get3A_11 = vector.shape_cast %get3A_10 : vector<1x16xf32> to vector<16xf32>
    %get3A_12 = arith.constant 2 : i32
    %get3A_13 = arith.index_cast %get3A_12 : i32 to index
    %get3A_14 = arith.constant 0 : index
    %get3A_15 = tpu.vector_load %arg7[%get3A_13, %get3A_14] {strides = array<i32>} : memref<8x16xf32, #tpu.memory_space<vmem>>, vector<1x16xf32>,
    %get3A_16 = vector.shape_cast %get3A_15 : vector<1x16xf32> to vector<16xf32>
    %get3A_17 = arith.constant 3 : i32
    %get3A_18 = arith.index_cast %get3A_17 : i32 to index
    %get3A_19 = arith.constant 0 : index
    %get3A_20 = tpu.vector_load %arg7[%get3A_18, %get3A_19] {strides = array<i32>} : memref<8x16xf32, #tpu.memory_space<vmem>>, vector<1x16xf32>,
    %get3A_21 = vector.shape_cast %get3A_20 : vector<1x16xf32> to vector<16xf32>
    %get3A_22 = arith.constant 4 : i32
    %get3A_23 = arith.index_cast %get3A_22 : i32 to index
    %get3A_24 = arith.constant 0 : index
    %get3A_25 = tpu.vector_load %arg7[%get3A_23, %get3A_24] {strides = array<i32>} : memref<8x16xf32, #tpu.memory_space<vmem>>, vector<1x16xf32>,
    %get3A_26 = vector.shape_cast %get3A_25 : vector<1x16xf32> to vector<16xf32>
    %get3A_27 = arith.constant 5 : i32
    %get3A_28 = arith.index_cast %get3A_27 : i32 to index
    %get3A_29 = arith.constant 0 : index
    %get3A_30 = tpu.vector_load %arg7[%get3A_28, %get3A_29] {strides = array<i32>} : memref<8x16xf32, #tpu.memory_space<vmem>>, vector<1x16xf32>,
    %get3A_31 = vector.shape_cast %get3A_30 : vector<1x16xf32> to vector<16xf32>
    %get3A_32 = arith.constant 6 : i32
    %get3A_33 = arith.index_cast %get3A_32 : i32 to index
    %get3A_34 = arith.constant 0 : index
    %get3A_35 = tpu.vector_load %arg7[%get3A_33, %get3A_34] {strides = array<i32>} : memref<8x16xf32, #tpu.memory_space<vmem>>, vector<1x16xf32>,
    %get3A_36 = vector.shape_cast %get3A_35 : vector<1x16xf32> to vector<16xf32>
    %get3A_37 = arith.constant 7 : i32
    %get3A_38 = arith.index_cast %get3A_37 : i32 to index
    %get3A_39 = arith.constant 0 : index
    %get3A_40 = tpu.vector_load %arg7[%get3A_38, %get3A_39] {strides = array<i32>} : memref<8x16xf32, #tpu.memory_space<vmem>>, vector<1x16xf32>,
    %get3A_41 = vector.shape_cast %get3A_40 : vector<1x16xf32> to vector<16xf32>
    %scan3A = arith.constant 0 : i32
    %scan3A_42 = arith.constant 0 : i32
    %scan3A_43 = arith.constant 32 : i32
    %scan3A_44 = arith.addi %scan3A_42, %scan3A_43 : i32
    %scan3A_45 = arith.constant 1 : i32
    scf.for %scan3A_47 = %scan3A_42 to %scan3A_44 step %scan3A_45  : i32 {
      %mul3A_48 = arith.constant 16 : i32
      %mul3A_49 = arith.muli %scan3A_47, %mul3A_48 : i32
      %get3A_50 = arith.index_cast %mul3A_49 : i32 to index
      %get3A_51 = tpu.vector_load %arg6[%get3A_50] {strides = array<i32>} : memref<512xf32, #tpu.memory_space<vmem>>, vector<16xf32>,
      %get3A_52 = vector.shape_cast %get3A_51 : vector<16xf32> to vector<16xf32>
      %mul3A_53 = arith.mulf %get3A_52, %get3A_6 : vector<16xf32>
      %add3A_54 = arith.addf %mul3A_53, %get3A_26 : vector<16xf32>
      %mul3A_55 = arith.mulf %get3A_52, %get3A_11 : vector<16xf32>
      %add3A_56 = arith.addf %mul3A_55, %get3A_31 : vector<16xf32>
      %mul3A_57 = arith.mulf %get3A_52, %get3A_16 : vector<16xf32>
      %add3A_58 = arith.addf %mul3A_57, %get3A_36 : vector<16xf32>
      %mul3A_59 = arith.mulf %get3A_52, %get3A_21 : vector<16xf32>
      %add3A_60 = arith.addf %mul3A_59, %get3A_41 : vector<16xf32>
      %max3A = arith.maximumf %add3A_54, %add3A_56 : vector<16xf32>
      %max3A_61 = arith.maximumf %add3A_58, %add3A_60 : vector<16xf32>
      %max3A_62 = arith.maximumf %max3A, %max3A_61 : vector<16xf32>
      %sub3A = arith.subf %add3A_54, %max3A_62 : vector<16xf32>
      %exp3A = math.exp %sub3A : vector<16xf32>
      %sub3A_63 = arith.subf %add3A_56, %max3A_62 : vector<16xf32>
      %exp3A_64 = math.exp %sub3A_63 : vector<16xf32>
      %sub3A_65 = arith.subf %add3A_58, %max3A_62 : vector<16xf32>
      %exp3A_66 = math.exp %sub3A_65 : vector<16xf32>
      %sub3A_67 = arith.subf %add3A_60, %max3A_62 : vector<16xf32>
      %exp3A_68 = math.exp %sub3A_67 : vector<16xf32>
      %add3A_69 = arith.addf %exp3A, %exp3A_64 : vector<16xf32>
      %add3A_70 = arith.addf %exp3A_66, %exp3A_68 : vector<16xf32>
      %add3A_71 = arith.addf %add3A_69, %add3A_70 : vector<16xf32>
      %div3A = arith.divf %exp3A, %add3A_71 : vector<16xf32>
      %div3A_72 = arith.divf %exp3A_64, %add3A_71 : vector<16xf32>
      %div3A_73 = arith.divf %exp3A_66, %add3A_71 : vector<16xf32>
      %div3A_74 = arith.divf %exp3A_68, %add3A_71 : vector<16xf32>
      %max3A_75 = arith.maximumf %div3A, %div3A_72 : vector<16xf32>
      %max3A_76 = arith.maximumf %div3A_73, %div3A_74 : vector<16xf32>
      %max3A_77 = arith.maximumf %max3A_75, %max3A_76 : vector<16xf32>
      %eq3A = arith.cmpf oeq, %div3A, %max3A_77 : vector<16xf32>
      %eq3A_78 = arith.cmpf oeq, %div3A_72, %max3A_77 : vector<16xf32>
      %eq3A_79 = arith.cmpf oeq, %div3A_73, %max3A_77 : vector<16xf32>
      %jit3A = arith.constant 2.000000e+00 : f32
      %jit3A_80 = arith.constant 3.000000e+00 : f32
      %broadcast_in_dim3A = vector.broadcast %jit3A : f32 to vector<16xf32>
      %broadcast_in_dim3A_81 = vector.broadcast %jit3A_80 : f32 to vector<16xf32>
      %select_n3A = arith.select %eq3A_79, %broadcast_in_dim3A, %broadcast_in_dim3A_81 : vector<16xi1>, vector<16xf32>
      %jit3A_82 = arith.constant 1.000000e+00 : f32
      %broadcast_in_dim3A_83 = vector.broadcast %jit3A_82 : f32 to vector<16xf32>
      %select_n3A_84 = arith.select %eq3A_78, %broadcast_in_dim3A_83, %select_n3A : vector<16xi1>, vector<16xf32>
      %jit3A_85 = arith.constant 0.000000e+00 : f32
      %broadcast_in_dim3A_86 = vector.broadcast %jit3A_85 : f32 to vector<16xf32>
      %select_n3A_87 = arith.select %eq3A, %broadcast_in_dim3A_86, %select_n3A_84 : vector<16xi1>, vector<16xf32>
      %eq3A_88 = arith.constant 0.000000e+00 : f32
      %eq3A_89 = vector.broadcast %eq3A_88 : f32 to vector<16xf32>
      %eq3A_90 = arith.cmpf oeq, %select_n3A_87, %eq3A_89 : vector<16xf32>
      %jit3A_91 = arith.constant -1.000000e+00 : f32
      %broadcast_in_dim3A_92 = vector.broadcast %jit3A_91 : f32 to vector<16xf32>
      %select_n3A_93 = arith.select %eq3A_90, %broadcast_in_dim3A_92, %div3A : vector<16xi1>, vector<16xf32>
      %eq3A_94 = arith.constant 1.000000e+00 : f32
      %eq3A_95 = vector.broadcast %eq3A_94 : f32 to vector<16xf32>
      %eq3A_96 = arith.cmpf oeq, %select_n3A_87, %eq3A_95 : vector<16xf32>
      %jit3A_97 = arith.constant -1.000000e+00 : f32
      %broadcast_in_dim3A_98 = vector.broadcast %jit3A_97 : f32 to vector<16xf32>
      %select_n3A_99 = arith.select %eq3A_96, %broadcast_in_dim3A_98, %div3A_72 : vector<16xi1>, vector<16xf32>
      %eq3A_100 = arith.constant 2.000000e+00 : f32
      %eq3A_101 = vector.broadcast %eq3A_100 : f32 to vector<16xf32>
      %eq3A_102 = arith.cmpf oeq, %select_n3A_87, %eq3A_101 : vector<16xf32>
      %jit3A_103 = arith.constant -1.000000e+00 : f32
      %broadcast_in_dim3A_104 = vector.broadcast %jit3A_103 : f32 to vector<16xf32>
      %select_n3A_105 = arith.select %eq3A_102, %broadcast_in_dim3A_104, %div3A_73 : vector<16xi1>, vector<16xf32>
      %eq3A_106 = arith.constant 3.000000e+00 : f32
      %eq3A_107 = vector.broadcast %eq3A_106 : f32 to vector<16xf32>
      %eq3A_108 = arith.cmpf oeq, %select_n3A_87, %eq3A_107 : vector<16xf32>
      %jit3A_109 = arith.constant -1.000000e+00 : f32
      %broadcast_in_dim3A_110 = vector.broadcast %jit3A_109 : f32 to vector<16xf32>
      %select_n3A_111 = arith.select %eq3A_108, %broadcast_in_dim3A_110, %div3A_74 : vector<16xi1>, vector<16xf32>
      %max3A_112 = arith.maximumf %select_n3A_93, %select_n3A_99 : vector<16xf32>
      %max3A_113 = arith.maximumf %select_n3A_105, %select_n3A_111 : vector<16xf32>
      %max3A_114 = arith.maximumf %max3A_112, %max3A_113 : vector<16xf32>
      %eq3A_115 = arith.cmpf oeq, %select_n3A_93, %max3A_114 : vector<16xf32>
      %eq3A_116 = arith.cmpf oeq, %select_n3A_99, %max3A_114 : vector<16xf32>
      %eq3A_117 = arith.cmpf oeq, %select_n3A_105, %max3A_114 : vector<16xf32>
      %jit3A_118 = arith.constant 2.000000e+00 : f32
      %jit3A_119 = arith.constant 3.000000e+00 : f32
      %broadcast_in_dim3A_120 = vector.broadcast %jit3A_118 : f32 to vector<16xf32>
      %broadcast_in_dim3A_121 = vector.broadcast %jit3A_119 : f32 to vector<16xf32>
      %select_n3A_122 = arith.select %eq3A_117, %broadcast_in_dim3A_120, %broadcast_in_dim3A_121 : vector<16xi1>, vector<16xf32>
      %jit3A_123 = arith.constant 1.000000e+00 : f32
      %broadcast_in_dim3A_124 = vector.broadcast %jit3A_123 : f32 to vector<16xf32>
      %select_n3A_125 = arith.select %eq3A_116, %broadcast_in_dim3A_124, %select_n3A_122 : vector<16xi1>, vector<16xf32>
      %jit3A_126 = arith.constant 0.000000e+00 : f32
      %broadcast_in_dim3A_127 = vector.broadcast %jit3A_126 : f32 to vector<16xf32>
      %select_n3A_128 = arith.select %eq3A_115, %broadcast_in_dim3A_127, %select_n3A_125 : vector<16xi1>, vector<16xf32>
      %swap3A = arith.constant 0 : i32
      %swap3A_129 = arith.index_cast %swap3A : i32 to index
      %swap3A_130 = arith.index_cast %mul3A_49 : i32 to index
      %swap3A_131 = tpu.vector_load %arg8[%swap3A_129, %swap3A_130] {strides = array<i32>} : memref<4x512xf32, #tpu.memory_space<vmem>>, vector<1x16xf32>,
      %swap3A_132 = vector.shape_cast %swap3A_131 : vector<1x16xf32> to vector<16xf32>
      %swap3A_133 = vector.shape_cast %div3A : vector<16xf32> to vector<1x16xf32>
      tpu.vector_store %arg8[%swap3A_129, %swap3A_130], %swap3A_133 {strides = array<i32>} : memref<4x512xf32, #tpu.memory_space<vmem>>, vector<1x16xf32>,
      %eq3A_134 = arith.constant 0.000000e+00 : f32
      %eq3A_135 = vector.broadcast %eq3A_134 : f32 to vector<16xf32>
      %eq3A_136 = arith.cmpf oeq, %select_n3A_87, %eq3A_135 : vector<16xf32>
      %eq3A_137 = arith.constant 0.000000e+00 : f32
      %eq3A_138 = vector.broadcast %eq3A_137 : f32 to vector<16xf32>
      %eq3A_139 = arith.cmpf oeq, %select_n3A_128, %eq3A_138 : vector<16xf32>
      %or3A = arith.ori %eq3A_136, %eq3A_139 : vector<16xi1>
      %jit3A_140 = arith.constant 1.000000e+00 : f32
      %jit3A_141 = arith.constant 0.000000e+00 : f32
      %broadcast_in_dim3A_142 = vector.broadcast %jit3A_140 : f32 to vector<16xf32>
      %broadcast_in_dim3A_143 = vector.broadcast %jit3A_141 : f32 to vector<16xf32>
      %select_n3A_144 = arith.select %or3A, %broadcast_in_dim3A_142, %broadcast_in_dim3A_143 : vector<16xi1>, vector<16xf32>
      %swap3A_145 = arith.constant 0 : i32
      %swap3A_146 = arith.index_cast %swap3A_145 : i32 to index
      %swap3A_147 = arith.index_cast %mul3A_49 : i32 to index
      %swap3A_148 = tpu.vector_load %arg9[%swap3A_146, %swap3A_147] {strides = array<i32>} : memref<4x512xf32, #tpu.memory_space<vmem>>, vector<1x16xf32>,
      %swap3A_149 = vector.shape_cast %swap3A_148 : vector<1x16xf32> to vector<16xf32>
      %swap3A_150 = vector.shape_cast %select_n3A_144 : vector<16xf32> to vector<1x16xf32>
      tpu.vector_store %arg9[%swap3A_146, %swap3A_147], %swap3A_150 {strides = array<i32>} : memref<4x512xf32, #tpu.memory_space<vmem>>, vector<1x16xf32>,
      %swap3A_151 = arith.constant 1 : i32
      %swap3A_152 = arith.index_cast %swap3A_151 : i32 to index
      %swap3A_153 = arith.index_cast %mul3A_49 : i32 to index
      %swap3A_154 = tpu.vector_load %arg8[%swap3A_152, %swap3A_153] {strides = array<i32>} : memref<4x512xf32, #tpu.memory_space<vmem>>, vector<1x16xf32>,
      %swap3A_155 = vector.shape_cast %swap3A_154 : vector<1x16xf32> to vector<16xf32>
      %swap3A_156 = vector.shape_cast %div3A_72 : vector<16xf32> to vector<1x16xf32>
      tpu.vector_store %arg8[%swap3A_152, %swap3A_153], %swap3A_156 {strides = array<i32>} : memref<4x512xf32, #tpu.memory_space<vmem>>, vector<1x16xf32>,
      %eq3A_157 = arith.constant 1.000000e+00 : f32
      %eq3A_158 = vector.broadcast %eq3A_157 : f32 to vector<16xf32>
      %eq3A_159 = arith.cmpf oeq, %select_n3A_87, %eq3A_158 : vector<16xf32>
      %eq3A_160 = arith.constant 1.000000e+00 : f32
      %eq3A_161 = vector.broadcast %eq3A_160 : f32 to vector<16xf32>
      %eq3A_162 = arith.cmpf oeq, %select_n3A_128, %eq3A_161 : vector<16xf32>
      %or3A_163 = arith.ori %eq3A_159, %eq3A_162 : vector<16xi1>
      %jit3A_164 = arith.constant 1.000000e+00 : f32
      %jit3A_165 = arith.constant 0.000000e+00 : f32
      %broadcast_in_dim3A_166 = vector.broadcast %jit3A_164 : f32 to vector<16xf32>
      %broadcast_in_dim3A_167 = vector.broadcast %jit3A_165 : f32 to vector<16xf32>
      %select_n3A_168 = arith.select %or3A_163, %broadcast_in_dim3A_166, %broadcast_in_dim3A_167 : vector<16xi1>, vector<16xf32>
      %swap3A_169 = arith.constant 1 : i32
      %swap3A_170 = arith.index_cast %swap3A_169 : i32 to index
      %swap3A_171 = arith.index_cast %mul3A_49 : i32 to index
      %swap3A_172 = tpu.vector_load %arg9[%swap3A_170, %swap3A_171] {strides = array<i32>} : memref<4x512xf32, #tpu.memory_space<vmem>>, vector<1x16xf32>,
      %swap3A_173 = vector.shape_cast %swap3A_172 : vector<1x16xf32> to vector<16xf32>
      %swap3A_174 = vector.shape_cast %select_n3A_168 : vector<16xf32> to vector<1x16xf32>
      tpu.vector_store %arg9[%swap3A_170, %swap3A_171], %swap3A_174 {strides = array<i32>} : memref<4x512xf32, #tpu.memory_space<vmem>>, vector<1x16xf32>,
      %swap3A_175 = arith.constant 2 : i32
      %swap3A_176 = arith.index_cast %swap3A_175 : i32 to index
      %swap3A_177 = arith.index_cast %mul3A_49 : i32 to index
      %swap3A_178 = tpu.vector_load %arg8[%swap3A_176, %swap3A_177] {strides = array<i32>} : memref<4x512xf32, #tpu.memory_space<vmem>>, vector<1x16xf32>,
      %swap3A_179 = vector.shape_cast %swap3A_178 : vector<1x16xf32> to vector<16xf32>
      %swap3A_180 = vector.shape_cast %div3A_73 : vector<16xf32> to vector<1x16xf32>
      tpu.vector_store %arg8[%swap3A_176, %swap3A_177], %swap3A_180 {strides = array<i32>} : memref<4x512xf32, #tpu.memory_space<vmem>>, vector<1x16xf32>,
      %eq3A_181 = arith.constant 2.000000e+00 : f32
      %eq3A_182 = vector.broadcast %eq3A_181 : f32 to vector<16xf32>
      %eq3A_183 = arith.cmpf oeq, %select_n3A_87, %eq3A_182 : vector<16xf32>
      %eq3A_184 = arith.constant 2.000000e+00 : f32
      %eq3A_185 = vector.broadcast %eq3A_184 : f32 to vector<16xf32>
      %eq3A_186 = arith.cmpf oeq, %select_n3A_128, %eq3A_185 : vector<16xf32>
      %or3A_187 = arith.ori %eq3A_183, %eq3A_186 : vector<16xi1>
      %jit3A_188 = arith.constant 1.000000e+00 : f32
      %jit3A_189 = arith.constant 0.000000e+00 : f32
      %broadcast_in_dim3A_190 = vector.broadcast %jit3A_188 : f32 to vector<16xf32>
      %broadcast_in_dim3A_191 = vector.broadcast %jit3A_189 : f32 to vector<16xf32>
      %select_n3A_192 = arith.select %or3A_187, %broadcast_in_dim3A_190, %broadcast_in_dim3A_191 : vector<16xi1>, vector<16xf32>
      %swap3A_193 = arith.constant 2 : i32
      %swap3A_194 = arith.index_cast %swap3A_193 : i32 to index
      %swap3A_195 = arith.index_cast %mul3A_49 : i32 to index
      %swap3A_196 = tpu.vector_load %arg9[%swap3A_194, %swap3A_195] {strides = array<i32>} : memref<4x512xf32, #tpu.memory_space<vmem>>, vector<1x16xf32>,
      %swap3A_197 = vector.shape_cast %swap3A_196 : vector<1x16xf32> to vector<16xf32>
      %swap3A_198 = vector.shape_cast %select_n3A_192 : vector<16xf32> to vector<1x16xf32>
      tpu.vector_store %arg9[%swap3A_194, %swap3A_195], %swap3A_198 {strides = array<i32>} : memref<4x512xf32, #tpu.memory_space<vmem>>, vector<1x16xf32>,
      %swap3A_199 = arith.constant 3 : i32
      %swap3A_200 = arith.index_cast %swap3A_199 : i32 to index
      %swap3A_201 = arith.index_cast %mul3A_49 : i32 to index
      %swap3A_202 = tpu.vector_load %arg8[%swap3A_200, %swap3A_201] {strides = array<i32>} : memref<4x512xf32, #tpu.memory_space<vmem>>, vector<1x16xf32>,
      %swap3A_203 = vector.shape_cast %swap3A_202 : vector<1x16xf32> to vector<16xf32>
      %swap3A_204 = vector.shape_cast %div3A_74 : vector<16xf32> to vector<1x16xf32>
      tpu.vector_store %arg8[%swap3A_200, %swap3A_201], %swap3A_204 {strides = array<i32>} : memref<4x512xf32, #tpu.memory_space<vmem>>, vector<1x16xf32>,
      %eq3A_205 = arith.constant 3.000000e+00 : f32
      %eq3A_206 = vector.broadcast %eq3A_205 : f32 to vector<16xf32>
      %eq3A_207 = arith.cmpf oeq, %select_n3A_87, %eq3A_206 : vector<16xf32>
      %eq3A_208 = arith.constant 3.000000e+00 : f32
      %eq3A_209 = vector.broadcast %eq3A_208 : f32 to vector<16xf32>
      %eq3A_210 = arith.cmpf oeq, %select_n3A_128, %eq3A_209 : vector<16xf32>
      %or3A_211 = arith.ori %eq3A_207, %eq3A_210 : vector<16xi1>
      %jit3A_212 = arith.constant 1.000000e+00 : f32
      %jit3A_213 = arith.constant 0.000000e+00 : f32
      %broadcast_in_dim3A_214 = vector.broadcast %jit3A_212 : f32 to vector<16xf32>
      %broadcast_in_dim3A_215 = vector.broadcast %jit3A_213 : f32 to vector<16xf32>
      %select_n3A_216 = arith.select %or3A_211, %broadcast_in_dim3A_214, %broadcast_in_dim3A_215 : vector<16xi1>, vector<16xf32>
      %swap3A_217 = arith.constant 3 : i32
      %swap3A_218 = arith.index_cast %swap3A_217 : i32 to index
      %swap3A_219 = arith.index_cast %mul3A_49 : i32 to index
      %swap3A_220 = tpu.vector_load %arg9[%swap3A_218, %swap3A_219] {strides = array<i32>} : memref<4x512xf32, #tpu.memory_space<vmem>>, vector<1x16xf32>,
      %swap3A_221 = vector.shape_cast %swap3A_220 : vector<1x16xf32> to vector<16xf32>
      %swap3A_222 = vector.shape_cast %select_n3A_216 : vector<16xf32> to vector<1x16xf32>
      tpu.vector_store %arg9[%swap3A_218, %swap3A_219], %swap3A_222 {strides = array<i32>} : memref<4x512xf32, #tpu.memory_space<vmem>>, vector<1x16xf32>,
    }
    %scan3A_46 = arith.constant 32 : i32
    "tpu.region"() ({
      %run_scoped3A = tpu.sem_alloc : memref<!tpu.dma_semaphore, #tpu.memory_space<semaphore_mem>>
      %dma_start3A = arith.constant 0 : i32
      %dma_start3A_47 = arith.constant 0 : i32
      %dma_start3A_48 = tpu.memref_slice %arg4[%add3A, %dma_start3A, %dma_start3A_47] : memref<32x4x512xf32, #tpu.memory_space<hbm>> -> memref<1x4x512xf32, #tpu.memory_space<hbm>>
      %dma_start3A_49 = tpu.memref_squeeze %dma_start3A_48 : memref<1x4x512xf32, #tpu.memory_space<hbm>> -> memref<4x512xf32, #tpu.memory_space<hbm>>
      %dma_start3A_50 = arith.constant 0 : i32
      %dma_start3A_51 = arith.constant 0 : i32
      %dma_start3A_52 = tpu.memref_slice %arg4[%add3A, %dma_start3A_50, %dma_start3A_51] : memref<32x4x512xf32, #tpu.memory_space<hbm>> -> memref<1x4x512xf32, #tpu.memory_space<hbm>>
      %dma_start3A_53 = tpu.memref_squeeze %dma_start3A_52 : memref<1x4x512xf32, #tpu.memory_space<hbm>> -> memref<4x512xf32, #tpu.memory_space<hbm>>
      tpu.enqueue_dma source(%arg8 : memref<4x512xf32, #tpu.memory_space<vmem>>) target(%dma_start3A_53 : memref<4x512xf32, #tpu.memory_space<hbm>>) target_semaphore(%run_scoped3A : memref<!tpu.dma_semaphore, #tpu.memory_space<semaphore_mem>>)
      %dma_wait3A = arith.constant 0 : i32
      %dma_wait3A_54 = arith.constant 0 : i32
      %dma_wait3A_55 = tpu.memref_slice %arg4[%add3A, %dma_wait3A, %dma_wait3A_54] : memref<32x4x512xf32, #tpu.memory_space<hbm>> -> memref<1x4x512xf32, #tpu.memory_space<hbm>>
      %dma_wait3A_56 = tpu.memref_squeeze %dma_wait3A_55 : memref<1x4x512xf32, #tpu.memory_space<hbm>> -> memref<4x512xf32, #tpu.memory_space<hbm>>
      %dma_wait3A_57 = arith.constant 0 : i32
      %dma_wait3A_58 = arith.constant 0 : i32
      %dma_wait3A_59 = tpu.memref_slice %arg4[%add3A, %dma_wait3A_57, %dma_wait3A_58] : memref<32x4x512xf32, #tpu.memory_space<hbm>> -> memref<1x4x512xf32, #tpu.memory_space<hbm>>
      %dma_wait3A_60 = tpu.memref_squeeze %dma_wait3A_59 : memref<1x4x512xf32, #tpu.memory_space<hbm>> -> memref<4x512xf32, #tpu.memory_space<hbm>>
      tpu.wait_dma2 semaphore(%run_scoped3A : memref<!tpu.dma_semaphore, #tpu.memory_space<semaphore_mem>>) src(%arg8 : memref<4x512xf32, #tpu.memory_space<vmem>>) dst(%dma_wait3A_60 : memref<4x512xf32, #tpu.memory_space<hbm>>)
      tpu.yield
    }) : () -> ()
    "tpu.region"() ({
      %run_scoped3A = tpu.sem_alloc : memref<!tpu.dma_semaphore, #tpu.memory_space<semaphore_mem>>
      %dma_start3A = arith.constant 0 : i32
      %dma_start3A_47 = arith.constant 0 : i32
      %dma_start3A_48 = tpu.memref_slice %arg5[%add3A, %dma_start3A, %dma_start3A_47] : memref<32x4x512xf32, #tpu.memory_space<hbm>> -> memref<1x4x512xf32, #tpu.memory_space<hbm>>
      %dma_start3A_49 = tpu.memref_squeeze %dma_start3A_48 : memref<1x4x512xf32, #tpu.memory_space<hbm>> -> memref<4x512xf32, #tpu.memory_space<hbm>>
      %dma_start3A_50 = arith.constant 0 : i32
      %dma_start3A_51 = arith.constant 0 : i32
      %dma_start3A_52 = tpu.memref_slice %arg5[%add3A, %dma_start3A_50, %dma_start3A_51] : memref<32x4x512xf32, #tpu.memory_space<hbm>> -> memref<1x4x512xf32, #tpu.memory_space<hbm>>
      %dma_start3A_53 = tpu.memref_squeeze %dma_start3A_52 : memref<1x4x512xf32, #tpu.memory_space<hbm>> -> memref<4x512xf32, #tpu.memory_space<hbm>>
      tpu.enqueue_dma source(%arg9 : memref<4x512xf32, #tpu.memory_space<vmem>>) target(%dma_start3A_53 : memref<4x512xf32, #tpu.memory_space<hbm>>) target_semaphore(%run_scoped3A : memref<!tpu.dma_semaphore, #tpu.memory_space<semaphore_mem>>)
      %dma_wait3A = arith.constant 0 : i32
      %dma_wait3A_54 = arith.constant 0 : i32
      %dma_wait3A_55 = tpu.memref_slice %arg5[%add3A, %dma_wait3A, %dma_wait3A_54] : memref<32x4x512xf32, #tpu.memory_space<hbm>> -> memref<1x4x512xf32, #tpu.memory_space<hbm>>
      %dma_wait3A_56 = tpu.memref_squeeze %dma_wait3A_55 : memref<1x4x512xf32, #tpu.memory_space<hbm>> -> memref<4x512xf32, #tpu.memory_space<hbm>>
      %dma_wait3A_57 = arith.constant 0 : i32
      %dma_wait3A_58 = arith.constant 0 : i32
      %dma_wait3A_59 = tpu.memref_slice %arg5[%add3A, %dma_wait3A_57, %dma_wait3A_58] : memref<32x4x512xf32, #tpu.memory_space<hbm>> -> memref<1x4x512xf32, #tpu.memory_space<hbm>>
      %dma_wait3A_60 = tpu.memref_squeeze %dma_wait3A_59 : memref<1x4x512xf32, #tpu.memory_space<hbm>> -> memref<4x512xf32, #tpu.memory_space<hbm>>
      tpu.wait_dma2 semaphore(%run_scoped3A : memref<!tpu.dma_semaphore, #tpu.memory_space<semaphore_mem>>) src(%arg9 : memref<4x512xf32, #tpu.memory_space<vmem>>) dst(%dma_wait3A_60 : memref<4x512xf32, #tpu.memory_space<hbm>>)
      tpu.yield
    }) : () -> ()
    return
  }
}

module attributes {stable_mosaic.version = 14 : i64} {
  func.func @_moe_block(%arg0: i32, %arg1: memref<512x1xf32, #tpu.memory_space<vmem>>, %arg2: memref<1x4xf32, #tpu.memory_space<vmem>>, %arg3: memref<1x4xf32, #tpu.memory_space<vmem>>, %arg4: memref<1x128xf32, #tpu.memory_space<vmem>>, %arg5: memref<1x128xf32, #tpu.memory_space<vmem>>, %arg6: memref<1x128xf32, #tpu.memory_space<vmem>>, %arg7: memref<144x256xf32, #tpu.memory_space<vmem>>, %arg8: memref<152x2048xf32, #tpu.memory_space<vmem>>, %arg9: memref<512x2048xf32, #tpu.memory_space<vmem>>) attributes {dimension_semantics = [#tpu.dimension_semantics<parallel>], iteration_bounds = array<i64: 32>, scalar_prefetch = 0 : i64, scratch_operands = 0 : i64, tpu.core_type = #tpu.core_type<tc>, window_params = [{transform_indices = @transform_0, window_bounds = array<i64: 512, 1>}, {pipeline_mode = #tpu.pipeline_mode<synchronous>, transform_indices = @transform_1, window_bounds = array<i64: 1, 4>}, {pipeline_mode = #tpu.pipeline_mode<synchronous>, transform_indices = @transform_2, window_bounds = array<i64: 1, 4>}, {pipeline_mode = #tpu.pipeline_mode<synchronous>, transform_indices = @transform_3, window_bounds = array<i64: 1, 128>}, {pipeline_mode = #tpu.pipeline_mode<synchronous>, transform_indices = @transform_4, window_bounds = array<i64: 1, 128>}, {pipeline_mode = #tpu.pipeline_mode<synchronous>, transform_indices = @transform_5, window_bounds = array<i64: 1, 128>}, {pipeline_mode = #tpu.pipeline_mode<synchronous>, transform_indices = @transform_6, window_bounds = array<i64: 144, 256>}, {pipeline_mode = #tpu.pipeline_mode<synchronous>, transform_indices = @transform_7, window_bounds = array<i64: 152, 2048>}, {transform_indices = @transform_8, window_bounds = array<i64: 512, 2048>}]} {
    %get3A = arith.constant 0 : index
    %get3A_0 = arith.constant 0 : index
    %get3A_1 = vector.load %arg1[%get3A, %get3A_0] : memref<512x1xf32, #tpu.memory_space<vmem>>, vector<512x1xf32>
    %get3A_2 = arith.constant 0 : index
    %get3A_3 = arith.constant 0 : index
    %get3A_4 = vector.load %arg2[%get3A_2, %get3A_3] : memref<1x4xf32, #tpu.memory_space<vmem>>, vector<1x4xf32>
    %mul3A = vector.broadcast %get3A_1 : vector<512x1xf32> to vector<512x4xf32>
    %mul3A_5 = vector.broadcast %get3A_4 : vector<1x4xf32> to vector<512x4xf32>
    %mul3A_6 = arith.mulf %mul3A, %mul3A_5 : vector<512x4xf32>
    %get3A_7 = arith.constant 0 : index
    %get3A_8 = arith.constant 0 : index
    %get3A_9 = vector.load %arg3[%get3A_7, %get3A_8] : memref<1x4xf32, #tpu.memory_space<vmem>>, vector<1x4xf32>
    %add3A = vector.broadcast %get3A_9 : vector<1x4xf32> to vector<512x4xf32>
    %add3A_10 = arith.addf %mul3A_6, %add3A : vector<512x4xf32>
    %reduce_max3A = arith.constant dense<0xFF800000> : vector<512xf32>
    %reduce_max3A_11 = vector.multi_reduction <maximumf>, %add3A_10, %reduce_max3A [1] : vector<512x4xf32> to vector<512xf32>
    %broadcast_in_dim3A = vector.shape_cast %reduce_max3A_11 : vector<512xf32> to vector<512x1xf32>
    %sub3A = vector.broadcast %broadcast_in_dim3A : vector<512x1xf32> to vector<512x4xf32>
    %sub3A_12 = arith.subf %add3A_10, %sub3A : vector<512x4xf32>
    %exp3A = math.exp %sub3A_12 : vector<512x4xf32>
    %reduce_sum3A = arith.constant dense<0.000000e+00> : vector<512xf32>
    %reduce_sum3A_13 = vector.multi_reduction <add>, %exp3A, %reduce_sum3A [1] : vector<512x4xf32> to vector<512xf32>
    %broadcast_in_dim3A_14 = vector.shape_cast %reduce_sum3A_13 : vector<512xf32> to vector<512x1xf32>
    %div3A = vector.broadcast %broadcast_in_dim3A_14 : vector<512x1xf32> to vector<512x4xf32>
    %div3A_15 = arith.divf %exp3A, %div3A : vector<512x4xf32>
    %iota3A = tpu.iota {dimensions = array<i32: 1>} : vector<512x4xi32>
    %reduce_max3A_16 = arith.constant dense<0xFF800000> : vector<512xf32>
    %reduce_max3A_17 = vector.multi_reduction <maximumf>, %div3A_15, %reduce_max3A_16 [1] : vector<512x4xf32> to vector<512xf32>
    %broadcast_in_dim3A_18 = vector.shape_cast %reduce_max3A_17 : vector<512xf32> to vector<512x1xf32>
    %eq3A = vector.broadcast %broadcast_in_dim3A_18 : vector<512x1xf32> to vector<512x4xf32>
    %eq3A_19 = arith.cmpf oeq, %div3A_15, %eq3A : vector<512x4xf32>
    %jit3A = arith.constant 4 : i32
    %broadcast_in_dim3A_20 = vector.broadcast %jit3A : i32 to vector<512x4xi32>
    %select_n3A = arith.select %eq3A_19, %iota3A, %broadcast_in_dim3A_20 : vector<512x4xi1>, vector<512x4xi32>
    %reduce_min3A = arith.constant dense<2147483647> : vector<512xi32>
    %reduce_min3A_21 = vector.multi_reduction <minsi>, %select_n3A, %reduce_min3A [1] : vector<512x4xi32> to vector<512xi32>
    %broadcast_in_dim3A_22 = vector.shape_cast %reduce_min3A_21 : vector<512xi32> to vector<512x1xi32>
    %eq3A_23 = vector.broadcast %broadcast_in_dim3A_22 : vector<512x1xi32> to vector<512x4xi32>
    %eq3A_24 = arith.cmpi eq, %iota3A, %eq3A_23 : vector<512x4xi32>
    %jit3A_25 = arith.constant 0xFF800000 : f32
    %broadcast_in_dim3A_26 = vector.broadcast %jit3A_25 : f32 to vector<512x4xf32>
    %select_n3A_27 = arith.select %eq3A_24, %broadcast_in_dim3A_26, %div3A_15 : vector<512x4xi1>, vector<512x4xf32>
    %reduce_max3A_28 = arith.constant dense<0xFF800000> : vector<512xf32>
    %reduce_max3A_29 = vector.multi_reduction <maximumf>, %select_n3A_27, %reduce_max3A_28 [1] : vector<512x4xf32> to vector<512xf32>
    %broadcast_in_dim3A_30 = vector.shape_cast %reduce_max3A_29 : vector<512xf32> to vector<512x1xf32>
    %eq3A_31 = vector.broadcast %broadcast_in_dim3A_30 : vector<512x1xf32> to vector<512x4xf32>
    %eq3A_32 = arith.cmpf oeq, %select_n3A_27, %eq3A_31 : vector<512x4xf32>
    %jit3A_33 = arith.constant 4 : i32
    %broadcast_in_dim3A_34 = vector.broadcast %jit3A_33 : i32 to vector<512x4xi32>
    %select_n3A_35 = arith.select %eq3A_32, %iota3A, %broadcast_in_dim3A_34 : vector<512x4xi1>, vector<512x4xi32>
    %reduce_min3A_36 = arith.constant dense<2147483647> : vector<512xi32>
    %reduce_min3A_37 = vector.multi_reduction <minsi>, %select_n3A_35, %reduce_min3A_36 [1] : vector<512x4xi32> to vector<512xi32>
    %broadcast_in_dim3A_38 = vector.shape_cast %reduce_min3A_37 : vector<512xi32> to vector<512x1xi32>
    %eq3A_39 = vector.broadcast %broadcast_in_dim3A_22 : vector<512x1xi32> to vector<512x4xi32>
    %eq3A_40 = arith.cmpi eq, %iota3A, %eq3A_39 : vector<512x4xi32>
    %eq3A_41 = vector.broadcast %broadcast_in_dim3A_38 : vector<512x1xi32> to vector<512x4xi32>
    %eq3A_42 = arith.cmpi eq, %iota3A, %eq3A_41 : vector<512x4xi32>
    %sub3A_43 = arith.subf %broadcast_in_dim3A_30, %broadcast_in_dim3A_18 : vector<512x1xf32>
    %exp3A_44 = math.exp %sub3A_43 : vector<512x1xf32>
    %add3A_45 = arith.constant 1.000000e+00 : f32
    %add3A_46 = vector.broadcast %add3A_45 : f32 to vector<512x1xf32>
    %add3A_47 = arith.addf %add3A_46, %exp3A_44 : vector<512x1xf32>
    %div3A_48 = arith.constant 1.000000e+00 : f32
    %div3A_49 = vector.broadcast %div3A_48 : f32 to vector<512x1xf32>
    %div3A_50 = arith.divf %div3A_49, %add3A_47 : vector<512x1xf32>
    %add3A_51 = arith.constant 1.000000e+00 : f32
    %add3A_52 = vector.broadcast %add3A_51 : f32 to vector<512x1xf32>
    %add3A_53 = arith.addf %add3A_52, %exp3A_44 : vector<512x1xf32>
    %div3A_54 = arith.divf %exp3A_44, %add3A_53 : vector<512x1xf32>
    %jit3A_55 = arith.constant 0.000000e+00 : f32
    %broadcast_in_dim3A_56 = vector.shape_cast %div3A_50 : vector<512x1xf32> to vector<512x1xf32>
    %broadcast_in_dim3A_57 = vector.broadcast %broadcast_in_dim3A_56 : vector<512x1xf32> to vector<512x4xf32>
    %broadcast_in_dim3A_58 = vector.broadcast %jit3A_55 : f32 to vector<512x4xf32>
    %select_n3A_59 = arith.select %eq3A_40, %broadcast_in_dim3A_57, %broadcast_in_dim3A_58 : vector<512x4xi1>, vector<512x4xf32>
    %jit3A_60 = arith.constant 0.000000e+00 : f32
    %broadcast_in_dim3A_61 = vector.shape_cast %div3A_54 : vector<512x1xf32> to vector<512x1xf32>
    %broadcast_in_dim3A_62 = vector.broadcast %broadcast_in_dim3A_61 : vector<512x1xf32> to vector<512x4xf32>
    %broadcast_in_dim3A_63 = vector.broadcast %jit3A_60 : f32 to vector<512x4xf32>
    %select_n3A_64 = arith.select %eq3A_42, %broadcast_in_dim3A_62, %broadcast_in_dim3A_63 : vector<512x4xi1>, vector<512x4xf32>
    %add3A_65 = arith.addf %select_n3A_59, %select_n3A_64 : vector<512x4xf32>
    %get3A_66 = arith.constant 0 : index
    %get3A_67 = arith.constant 0 : index
    %get3A_68 = vector.load %arg4[%get3A_66, %get3A_67] : memref<1x128xf32, #tpu.memory_space<vmem>>, vector<1x128xf32>
    %mul3A_69 = vector.broadcast %get3A_1 : vector<512x1xf32> to vector<512x128xf32>
    %mul3A_70 = vector.broadcast %get3A_68 : vector<1x128xf32> to vector<512x128xf32>
    %mul3A_71 = arith.mulf %mul3A_69, %mul3A_70 : vector<512x128xf32>
    %get3A_72 = arith.constant 0 : index
    %get3A_73 = arith.constant 0 : index
    %get3A_74 = vector.load %arg5[%get3A_72, %get3A_73] : memref<1x128xf32, #tpu.memory_space<vmem>>, vector<1x128xf32>
    %add3A_75 = vector.broadcast %get3A_74 : vector<1x128xf32> to vector<512x128xf32>
    %add3A_76 = arith.addf %mul3A_71, %add3A_75 : vector<512x128xf32>
    %sin3A = math.sin %add3A_76 : vector<512x128xf32>
    %mul3A_77 = arith.mulf %add3A_76, %add3A_76 : vector<512x128xf32>
    %get3A_78 = arith.constant 0 : index
    %get3A_79 = arith.constant 0 : index
    %get3A_80 = vector.load %arg6[%get3A_78, %get3A_79] : memref<1x128xf32, #tpu.memory_space<vmem>>, vector<1x128xf32>
    %mul3A_81 = vector.broadcast %get3A_80 : vector<1x128xf32> to vector<512x128xf32>
    %mul3A_82 = arith.mulf %mul3A_77, %mul3A_81 : vector<512x128xf32>
    %exp3A_83 = math.exp %mul3A_82 : vector<512x128xf32>
    %sub3A_84 = arith.constant 1.000000e+00 : f32
    %sub3A_85 = vector.broadcast %sub3A_84 : f32 to vector<512x128xf32>
    %sub3A_86 = arith.subf %mul3A_77, %sub3A_85 : vector<512x128xf32>
    %mul3A_87 = arith.mulf %sub3A_86, %exp3A_83 : vector<512x128xf32>
    %iota3A_88 = tpu.iota {dimensions = array<i32: 1>} : vector<512x128xi32>
    %lt3A = arith.constant 64 : i32
    %lt3A_89 = vector.broadcast %lt3A : i32 to vector<512x128xi32>
    %lt3A_90 = arith.cmpi slt, %iota3A_88, %lt3A_89 : vector<512x128xi32>
    %lt3A_91 = arith.constant 96 : i32
    %lt3A_92 = vector.broadcast %lt3A_91 : i32 to vector<512x128xi32>
    %lt3A_93 = arith.cmpi slt, %iota3A_88, %lt3A_92 : vector<512x128xi32>
    %select_n3A_94 = arith.select %lt3A_93, %exp3A_83, %mul3A_87 : vector<512x128xi1>, vector<512x128xf32>
    %select_n3A_95 = arith.select %lt3A_90, %sin3A, %select_n3A_94 : vector<512x128xi1>, vector<512x128xf32>
    %lt3A_96 = arith.constant 64 : i32
    %lt3A_97 = vector.broadcast %lt3A_96 : i32 to vector<512x128xi32>
    %lt3A_98 = arith.cmpi slt, %iota3A_88, %lt3A_97 : vector<512x128xi32>
    %slice3A = vector.extract_strided_slice %add3A_65 {offsets = [0, 0], sizes = [512, 1], strides = [1, 1]} : vector<512x4xf32> to vector<512x1xf32>
    %lt3A_99 = arith.constant 96 : i32
    %lt3A_100 = vector.broadcast %lt3A_99 : i32 to vector<512x128xi32>
    %lt3A_101 = arith.cmpi slt, %iota3A_88, %lt3A_100 : vector<512x128xi32>
    %slice3A_102 = vector.extract_strided_slice %add3A_65 {offsets = [0, 2], sizes = [512, 1], strides = [1, 1]} : vector<512x4xf32> to vector<512x1xf32>
    %slice3A_103 = vector.extract_strided_slice %add3A_65 {offsets = [0, 3], sizes = [512, 1], strides = [1, 1]} : vector<512x4xf32> to vector<512x1xf32>
    %broadcast_in_dim3A_104 = vector.shape_cast %slice3A_102 : vector<512x1xf32> to vector<512x1xf32>
    %broadcast_in_dim3A_105 = vector.broadcast %broadcast_in_dim3A_104 : vector<512x1xf32> to vector<512x128xf32>
    %broadcast_in_dim3A_106 = vector.shape_cast %slice3A_103 : vector<512x1xf32> to vector<512x1xf32>
    %broadcast_in_dim3A_107 = vector.broadcast %broadcast_in_dim3A_106 : vector<512x1xf32> to vector<512x128xf32>
    %select_n3A_108 = arith.select %lt3A_101, %broadcast_in_dim3A_105, %broadcast_in_dim3A_107 : vector<512x128xi1>, vector<512x128xf32>
    %broadcast_in_dim3A_109 = vector.shape_cast %slice3A : vector<512x1xf32> to vector<512x1xf32>
    %broadcast_in_dim3A_110 = vector.broadcast %broadcast_in_dim3A_109 : vector<512x1xf32> to vector<512x128xf32>
    %select_n3A_111 = arith.select %lt3A_98, %broadcast_in_dim3A_110, %select_n3A_108 : vector<512x128xi1>, vector<512x128xf32>
    %mul3A_112 = arith.mulf %select_n3A_95, %select_n3A_111 : vector<512x128xf32>
    %iota3A_113 = tpu.iota {dimensions = array<i32: 1>} : vector<1x11xi32>
    %convert_element_type3A = arith.sitofp %iota3A_113 : vector<1x11xi32> to vector<1x11xf32>
    %add3A_114 = arith.constant -3.000000e+00 : f32
    %add3A_115 = vector.broadcast %add3A_114 : f32 to vector<1x11xf32>
    %add3A_116 = arith.addf %convert_element_type3A, %add3A_115 : vector<1x11xf32>
    %mul3A_117 = arith.constant 4.000000e-01 : f32
    %mul3A_118 = vector.broadcast %mul3A_117 : f32 to vector<1x11xf32>
    %mul3A_119 = arith.mulf %add3A_116, %mul3A_118 : vector<1x11xf32>
    %sub3A_120 = arith.constant 1.000000e+00 : f32
    %sub3A_121 = vector.broadcast %sub3A_120 : f32 to vector<1x11xf32>
    %sub3A_122 = arith.subf %mul3A_119, %sub3A_121 : vector<1x11xf32>
    %ge3A = vector.broadcast %get3A_1 : vector<512x1xf32> to vector<512x11xf32>
    %ge3A_123 = vector.broadcast %sub3A_122 : vector<1x11xf32> to vector<512x11xf32>
    %ge3A_124 = arith.cmpf oge, %ge3A, %ge3A_123 : vector<512x11xf32>
    %iota3A_125 = tpu.iota {dimensions = array<i32: 1>} : vector<1x11xi32>
    %convert_element_type3A_126 = arith.sitofp %iota3A_125 : vector<1x11xi32> to vector<1x11xf32>
    %add3A_127 = arith.constant -2.000000e+00 : f32
    %add3A_128 = vector.broadcast %add3A_127 : f32 to vector<1x11xf32>
    %add3A_129 = arith.addf %convert_element_type3A_126, %add3A_128 : vector<1x11xf32>
    %mul3A_130 = arith.constant 4.000000e-01 : f32
    %mul3A_131 = vector.broadcast %mul3A_130 : f32 to vector<1x11xf32>
    %mul3A_132 = arith.mulf %add3A_129, %mul3A_131 : vector<1x11xf32>
    %sub3A_133 = arith.constant 1.000000e+00 : f32
    %sub3A_134 = vector.broadcast %sub3A_133 : f32 to vector<1x11xf32>
    %sub3A_135 = arith.subf %mul3A_132, %sub3A_134 : vector<1x11xf32>
    %lt3A_136 = vector.broadcast %get3A_1 : vector<512x1xf32> to vector<512x11xf32>
    %lt3A_137 = vector.broadcast %sub3A_135 : vector<1x11xf32> to vector<512x11xf32>
    %lt3A_138 = arith.cmpf olt, %lt3A_136, %lt3A_137 : vector<512x11xf32>
    %and3A = arith.andi %ge3A_124, %lt3A_138 : vector<512x11xi1>
    %convert_element_type3A_139 = arith.extui %and3A : vector<512x11xi1> to vector<512x11xi32>
    %convert_element_type3A_140 = arith.sitofp %convert_element_type3A_139 : vector<512x11xi32> to vector<512x11xf32>
    %iota3A_141 = tpu.iota {dimensions = array<i32: 1>} : vector<1x10xi32>
    %convert_element_type3A_142 = arith.sitofp %iota3A_141 : vector<1x10xi32> to vector<1x10xf32>
    %add3A_143 = arith.constant -3.000000e+00 : f32
    %add3A_144 = vector.broadcast %add3A_143 : f32 to vector<1x10xf32>
    %add3A_145 = arith.addf %convert_element_type3A_142, %add3A_144 : vector<1x10xf32>
    %mul3A_146 = arith.constant 4.000000e-01 : f32
    %mul3A_147 = vector.broadcast %mul3A_146 : f32 to vector<1x10xf32>
    %mul3A_148 = arith.mulf %add3A_145, %mul3A_147 : vector<1x10xf32>
    %sub3A_149 = arith.constant 1.000000e+00 : f32
    %sub3A_150 = vector.broadcast %sub3A_149 : f32 to vector<1x10xf32>
    %sub3A_151 = arith.subf %mul3A_148, %sub3A_150 : vector<1x10xf32>
    %sub3A_152 = vector.broadcast %get3A_1 : vector<512x1xf32> to vector<512x10xf32>
    %sub3A_153 = vector.broadcast %sub3A_151 : vector<1x10xf32> to vector<512x10xf32>
    %sub3A_154 = arith.subf %sub3A_152, %sub3A_153 : vector<512x10xf32>
    %mul3A_155 = arith.constant 2.500000e+00 : f32
    %mul3A_156 = vector.broadcast %mul3A_155 : f32 to vector<512x10xf32>
    %mul3A_157 = arith.mulf %sub3A_154, %mul3A_156 : vector<512x10xf32>
    %slice3A_158 = vector.extract_strided_slice %convert_element_type3A_140 {offsets = [0, 0], sizes = [512, 10], strides = [1, 1]} : vector<512x11xf32> to vector<512x10xf32>
    %mul3A_159 = arith.mulf %mul3A_157, %slice3A_158 : vector<512x10xf32>
    %iota3A_160 = tpu.iota {dimensions = array<i32: 1>} : vector<1x10xi32>
    %convert_element_type3A_161 = arith.sitofp %iota3A_160 : vector<1x10xi32> to vector<1x10xf32>
    %add3A_162 = arith.constant -1.000000e+00 : f32
    %add3A_163 = vector.broadcast %add3A_162 : f32 to vector<1x10xf32>
    %add3A_164 = arith.addf %convert_element_type3A_161, %add3A_163 : vector<1x10xf32>
    %mul3A_165 = arith.constant 4.000000e-01 : f32
    %mul3A_166 = vector.broadcast %mul3A_165 : f32 to vector<1x10xf32>
    %mul3A_167 = arith.mulf %add3A_164, %mul3A_166 : vector<1x10xf32>
    %sub3A_168 = arith.constant 1.000000e+00 : f32
    %sub3A_169 = vector.broadcast %sub3A_168 : f32 to vector<1x10xf32>
    %sub3A_170 = arith.subf %mul3A_167, %sub3A_169 : vector<1x10xf32>
    %sub3A_171 = vector.broadcast %sub3A_170 : vector<1x10xf32> to vector<512x10xf32>
    %sub3A_172 = vector.broadcast %get3A_1 : vector<512x1xf32> to vector<512x10xf32>
    %sub3A_173 = arith.subf %sub3A_171, %sub3A_172 : vector<512x10xf32>
    %mul3A_174 = arith.constant 2.500000e+00 : f32
    %mul3A_175 = vector.broadcast %mul3A_174 : f32 to vector<512x10xf32>
    %mul3A_176 = arith.mulf %sub3A_173, %mul3A_175 : vector<512x10xf32>
    %slice3A_177 = vector.extract_strided_slice %convert_element_type3A_140 {offsets = [0, 1], sizes = [512, 10], strides = [1, 1]} : vector<512x11xf32> to vector<512x10xf32>
    %mul3A_178 = arith.mulf %mul3A_176, %slice3A_177 : vector<512x10xf32>
    %add3A_179 = arith.addf %mul3A_159, %mul3A_178 : vector<512x10xf32>
    %iota3A_180 = tpu.iota {dimensions = array<i32: 1>} : vector<1x9xi32>
    %convert_element_type3A_181 = arith.sitofp %iota3A_180 : vector<1x9xi32> to vector<1x9xf32>
    %add3A_182 = arith.constant -3.000000e+00 : f32
    %add3A_183 = vector.broadcast %add3A_182 : f32 to vector<1x9xf32>
    %add3A_184 = arith.addf %convert_element_type3A_181, %add3A_183 : vector<1x9xf32>
    %mul3A_185 = arith.constant 4.000000e-01 : f32
    %mul3A_186 = vector.broadcast %mul3A_185 : f32 to vector<1x9xf32>
    %mul3A_187 = arith.mulf %add3A_184, %mul3A_186 : vector<1x9xf32>
    %sub3A_188 = arith.constant 1.000000e+00 : f32
    %sub3A_189 = vector.broadcast %sub3A_188 : f32 to vector<1x9xf32>
    %sub3A_190 = arith.subf %mul3A_187, %sub3A_189 : vector<1x9xf32>
    %sub3A_191 = vector.broadcast %get3A_1 : vector<512x1xf32> to vector<512x9xf32>
    %sub3A_192 = vector.broadcast %sub3A_190 : vector<1x9xf32> to vector<512x9xf32>
    %sub3A_193 = arith.subf %sub3A_191, %sub3A_192 : vector<512x9xf32>
    %mul3A_194 = arith.constant 1.250000e+00 : f32
    %mul3A_195 = vector.broadcast %mul3A_194 : f32 to vector<512x9xf32>
    %mul3A_196 = arith.mulf %sub3A_193, %mul3A_195 : vector<512x9xf32>
    %slice3A_197 = vector.extract_strided_slice %add3A_179 {offsets = [0, 0], sizes = [512, 9], strides = [1, 1]} : vector<512x10xf32> to vector<512x9xf32>
    %mul3A_198 = arith.mulf %mul3A_196, %slice3A_197 : vector<512x9xf32>
    %iota3A_199 = tpu.iota {dimensions = array<i32: 1>} : vector<1x9xi32>
    %convert_element_type3A_200 = arith.sitofp %iota3A_199 : vector<1x9xi32> to vector<1x9xf32>
    %add3A_201 = arith.constant 0.000000e+00 : f32
    %add3A_202 = vector.broadcast %add3A_201 : f32 to vector<1x9xf32>
    %add3A_203 = arith.addf %convert_element_type3A_200, %add3A_202 : vector<1x9xf32>
    %mul3A_204 = arith.constant 4.000000e-01 : f32
    %mul3A_205 = vector.broadcast %mul3A_204 : f32 to vector<1x9xf32>
    %mul3A_206 = arith.mulf %add3A_203, %mul3A_205 : vector<1x9xf32>
    %sub3A_207 = arith.constant 1.000000e+00 : f32
    %sub3A_208 = vector.broadcast %sub3A_207 : f32 to vector<1x9xf32>
    %sub3A_209 = arith.subf %mul3A_206, %sub3A_208 : vector<1x9xf32>
    %sub3A_210 = vector.broadcast %sub3A_209 : vector<1x9xf32> to vector<512x9xf32>
    %sub3A_211 = vector.broadcast %get3A_1 : vector<512x1xf32> to vector<512x9xf32>
    %sub3A_212 = arith.subf %sub3A_210, %sub3A_211 : vector<512x9xf32>
    %mul3A_213 = arith.constant 1.250000e+00 : f32
    %mul3A_214 = vector.broadcast %mul3A_213 : f32 to vector<512x9xf32>
    %mul3A_215 = arith.mulf %sub3A_212, %mul3A_214 : vector<512x9xf32>
    %slice3A_216 = vector.extract_strided_slice %add3A_179 {offsets = [0, 1], sizes = [512, 9], strides = [1, 1]} : vector<512x10xf32> to vector<512x9xf32>
    %mul3A_217 = arith.mulf %mul3A_215, %slice3A_216 : vector<512x9xf32>
    %add3A_218 = arith.addf %mul3A_198, %mul3A_217 : vector<512x9xf32>
    %iota3A_219 = tpu.iota {dimensions = array<i32: 1>} : vector<1x8xi32>
    %convert_element_type3A_220 = arith.sitofp %iota3A_219 : vector<1x8xi32> to vector<1x8xf32>
    %add3A_221 = arith.constant -3.000000e+00 : f32
    %add3A_222 = vector.broadcast %add3A_221 : f32 to vector<1x8xf32>
    %add3A_223 = arith.addf %convert_element_type3A_220, %add3A_222 : vector<1x8xf32>
    %mul3A_224 = arith.constant 4.000000e-01 : f32
    %mul3A_225 = vector.broadcast %mul3A_224 : f32 to vector<1x8xf32>
    %mul3A_226 = arith.mulf %add3A_223, %mul3A_225 : vector<1x8xf32>
    %sub3A_227 = arith.constant 1.000000e+00 : f32
    %sub3A_228 = vector.broadcast %sub3A_227 : f32 to vector<1x8xf32>
    %sub3A_229 = arith.subf %mul3A_226, %sub3A_228 : vector<1x8xf32>
    %sub3A_230 = vector.broadcast %get3A_1 : vector<512x1xf32> to vector<512x8xf32>
    %sub3A_231 = vector.broadcast %sub3A_229 : vector<1x8xf32> to vector<512x8xf32>
    %sub3A_232 = arith.subf %sub3A_230, %sub3A_231 : vector<512x8xf32>
    %mul3A_233 = arith.constant 0.833333313 : f32
    %mul3A_234 = vector.broadcast %mul3A_233 : f32 to vector<512x8xf32>
    %mul3A_235 = arith.mulf %sub3A_232, %mul3A_234 : vector<512x8xf32>
    %slice3A_236 = vector.extract_strided_slice %add3A_218 {offsets = [0, 0], sizes = [512, 8], strides = [1, 1]} : vector<512x9xf32> to vector<512x8xf32>
    %mul3A_237 = arith.mulf %mul3A_235, %slice3A_236 : vector<512x8xf32>
    %iota3A_238 = tpu.iota {dimensions = array<i32: 1>} : vector<1x8xi32>
    %convert_element_type3A_239 = arith.sitofp %iota3A_238 : vector<1x8xi32> to vector<1x8xf32>
    %add3A_240 = arith.constant 1.000000e+00 : f32
    %add3A_241 = vector.broadcast %add3A_240 : f32 to vector<1x8xf32>
    %add3A_242 = arith.addf %convert_element_type3A_239, %add3A_241 : vector<1x8xf32>
    %mul3A_243 = arith.constant 4.000000e-01 : f32
    %mul3A_244 = vector.broadcast %mul3A_243 : f32 to vector<1x8xf32>
    %mul3A_245 = arith.mulf %add3A_242, %mul3A_244 : vector<1x8xf32>
    %sub3A_246 = arith.constant 1.000000e+00 : f32
    %sub3A_247 = vector.broadcast %sub3A_246 : f32 to vector<1x8xf32>
    %sub3A_248 = arith.subf %mul3A_245, %sub3A_247 : vector<1x8xf32>
    %sub3A_249 = vector.broadcast %sub3A_248 : vector<1x8xf32> to vector<512x8xf32>
    %sub3A_250 = vector.broadcast %get3A_1 : vector<512x1xf32> to vector<512x8xf32>
    %sub3A_251 = arith.subf %sub3A_249, %sub3A_250 : vector<512x8xf32>
    %mul3A_252 = arith.constant 0.833333313 : f32
    %mul3A_253 = vector.broadcast %mul3A_252 : f32 to vector<512x8xf32>
    %mul3A_254 = arith.mulf %sub3A_251, %mul3A_253 : vector<512x8xf32>
    %slice3A_255 = vector.extract_strided_slice %add3A_218 {offsets = [0, 1], sizes = [512, 8], strides = [1, 1]} : vector<512x9xf32> to vector<512x8xf32>
    %mul3A_256 = arith.mulf %mul3A_254, %slice3A_255 : vector<512x8xf32>
    %add3A_257 = arith.addf %mul3A_237, %mul3A_256 : vector<512x8xf32>
    %logistic3A = arith.negf %get3A_1 : vector<512x1xf32>
    %logistic3A_258 = math.exp %logistic3A : vector<512x1xf32>
    %logistic3A_259 = arith.constant 1.000000e+00 : f32
    %logistic3A_260 = vector.broadcast %logistic3A_259 : f32 to vector<512x1xf32>
    %logistic3A_261 = arith.addf %logistic3A_260, %logistic3A_258 : vector<512x1xf32>
    %logistic3A_262 = arith.divf %logistic3A_260, %logistic3A_261 : vector<512x1xf32>
    %mul3A_263 = arith.mulf %get3A_1, %logistic3A_262 : vector<512x1xf32>
    %slice3A_264 = vector.extract_strided_slice %add3A_65 {offsets = [0, 1], sizes = [512, 1], strides = [1, 1]} : vector<512x4xf32> to vector<512x1xf32>
    %mul3A_265 = arith.mulf %mul3A_263, %slice3A_264 : vector<512x1xf32>
    %mul3A_266 = vector.broadcast %slice3A_264 : vector<512x1xf32> to vector<512x8xf32>
    %mul3A_267 = arith.mulf %add3A_257, %mul3A_266 : vector<512x8xf32>
    %broadcast_in_dim3A_268 = arith.constant 0.000000e+00 : f32
    %broadcast_in_dim3A_269 = vector.broadcast %broadcast_in_dim3A_268 : f32 to vector<512x7xf32>
    %concatenate3A = tpu.concatenate %mul3A_265, %mul3A_267, %broadcast_in_dim3A_269 in 1 : vector<512x1xf32>, vector<512x8xf32>, vector<512x7xf32> -> vector<512x16xf32>
    %concatenate3A_270 = tpu.concatenate %mul3A_112, %concatenate3A in 1 : vector<512x128xf32>, vector<512x16xf32> -> vector<512x144xf32>
    %get3A_271 = arith.constant 0 : index
    %get3A_272 = arith.constant 0 : index
    %get3A_273 = vector.load %arg7[%get3A_271, %get3A_272] : memref<144x256xf32, #tpu.memory_space<vmem>>, vector<144x256xf32>
    %dot_general3A = arith.constant dense<0.000000e+00> : vector<512x256xf32>
    %dot_general3A_274 = tpu.matmul %concatenate3A_270, %get3A_273, %dot_general3A {dimension_numbers = #tpu.dot_dimension_numbers<[1], [0], [0], [1], [0, 0, 1, 1], [], []>, transpose_lhs_hint = false} : vector<512x144xf32>, vector<144x256xf32>, vector<512x256xf32> -> vector<512x256xf32>
    %slice3A_275 = vector.extract_strided_slice %dot_general3A_274 {offsets = [0, 144], sizes = [512, 1], strides = [1, 1]} : vector<512x256xf32> to vector<512x1xf32>
    %mul3A_276 = arith.constant 4.8828125E-4 : f32
    %mul3A_277 = vector.broadcast %mul3A_276 : f32 to vector<512x1xf32>
    %mul3A_278 = arith.mulf %slice3A_275, %mul3A_277 : vector<512x1xf32>
    %slice3A_279 = vector.extract_strided_slice %dot_general3A_274 {offsets = [0, 0], sizes = [512, 144], strides = [1, 1]} : vector<512x256xf32> to vector<512x144xf32>
    %mul3A_280 = arith.mulf %concatenate3A_270, %slice3A_279 : vector<512x144xf32>
    %reduce_sum3A_281 = arith.constant dense<0.000000e+00> : vector<512xf32>
    %reduce_sum3A_282 = vector.multi_reduction <add>, %mul3A_280, %reduce_sum3A_281 [1] : vector<512x144xf32> to vector<512xf32>
    %broadcast_in_dim3A_283 = vector.shape_cast %reduce_sum3A_282 : vector<512xf32> to vector<512x1xf32>
    %mul3A_284 = arith.constant 4.8828125E-4 : f32
    %mul3A_285 = vector.broadcast %mul3A_284 : f32 to vector<512x1xf32>
    %mul3A_286 = arith.mulf %broadcast_in_dim3A_283, %mul3A_285 : vector<512x1xf32>
    %mul3A_287 = arith.mulf %mul3A_278, %mul3A_278 : vector<512x1xf32>
    %sub3A_288 = arith.subf %mul3A_286, %mul3A_287 : vector<512x1xf32>
    %add3A_289 = arith.constant 9.99999974E-6 : f32
    %add3A_290 = vector.broadcast %add3A_289 : f32 to vector<512x1xf32>
    %add3A_291 = arith.addf %sub3A_288, %add3A_290 : vector<512x1xf32>
    %rsqrt3A = math.rsqrt %add3A_291 : vector<512x1xf32>
    %mul3A_292 = vector.broadcast %rsqrt3A : vector<512x1xf32> to vector<512x144xf32>
    %mul3A_293 = arith.mulf %concatenate3A_270, %mul3A_292 : vector<512x144xf32>
    %neg3A = arith.constant 0.000000e+00 : f32
    %neg3A_294 = vector.broadcast %neg3A : f32 to vector<512x1xf32>
    %neg3A_295 = arith.subf %neg3A_294, %rsqrt3A : vector<512x1xf32>
    %mul3A_296 = arith.mulf %neg3A_295, %mul3A_278 : vector<512x1xf32>
    %broadcast_in_dim3A_297 = arith.constant 1.000000e+00 : f32
    %broadcast_in_dim3A_298 = vector.broadcast %broadcast_in_dim3A_297 : f32 to vector<512x1xf32>
    %broadcast_in_dim3A_299 = arith.constant 0.000000e+00 : f32
    %broadcast_in_dim3A_300 = vector.broadcast %broadcast_in_dim3A_299 : f32 to vector<512x6xf32>
    %concatenate3A_301 = tpu.concatenate %mul3A_293, %mul3A_296, %broadcast_in_dim3A_298, %broadcast_in_dim3A_300 in 1 : vector<512x144xf32>, vector<512x1xf32>, vector<512x1xf32>, vector<512x6xf32> -> vector<512x152xf32>
    %get3A_302 = arith.constant 0 : index
    %get3A_303 = arith.constant 0 : index
    %get3A_304 = vector.load %arg8[%get3A_302, %get3A_303] : memref<152x2048xf32, #tpu.memory_space<vmem>>, vector<152x2048xf32>
    %dot_general3A_305 = arith.constant dense<0.000000e+00> : vector<512x2048xf32>
    %dot_general3A_306 = tpu.matmul %concatenate3A_301, %get3A_304, %dot_general3A_305 {dimension_numbers = #tpu.dot_dimension_numbers<[1], [0], [0], [1], [0, 0, 1, 1], [], []>, transpose_lhs_hint = false} : vector<512x152xf32>, vector<152x2048xf32>, vector<512x2048xf32> -> vector<512x2048xf32>
    %swap3A = arith.constant 0 : index
    %swap3A_307 = arith.constant 0 : index
    %swap3A_308 = vector.load %arg9[%swap3A, %swap3A_307] : memref<512x2048xf32, #tpu.memory_space<vmem>>, vector<512x2048xf32>
    tpu.vector_store %arg9[%swap3A, %swap3A_307], %dot_general3A_306 {strides = array<i32>} : memref<512x2048xf32, #tpu.memory_space<vmem>>, vector<512x2048xf32>,
    return
  }
  func.func @transform_0(%arg0: i32) -> (i32, i32) {
    %c0_i32 = arith.constant 0 : i32
    %c0_i32_0 = arith.constant 0 : i32
    return %arg0, %c0_i32 : i32, i32
  }
  func.func @transform_1(%arg0: i32) -> (i32, i32) {
    %c0_i32 = arith.constant 0 : i32
    %c0_i32_0 = arith.constant 0 : i32
    %c0_i32_1 = arith.constant 0 : i32
    return %c0_i32, %c0_i32_0 : i32, i32
  }
  func.func @transform_2(%arg0: i32) -> (i32, i32) {
    %c0_i32 = arith.constant 0 : i32
    %c0_i32_0 = arith.constant 0 : i32
    %c0_i32_1 = arith.constant 0 : i32
    return %c0_i32, %c0_i32_0 : i32, i32
  }
  func.func @transform_3(%arg0: i32) -> (i32, i32) {
    %c0_i32 = arith.constant 0 : i32
    %c0_i32_0 = arith.constant 0 : i32
    %c0_i32_1 = arith.constant 0 : i32
    return %c0_i32, %c0_i32_0 : i32, i32
  }
  func.func @transform_4(%arg0: i32) -> (i32, i32) {
    %c0_i32 = arith.constant 0 : i32
    %c0_i32_0 = arith.constant 0 : i32
    %c0_i32_1 = arith.constant 0 : i32
    return %c0_i32, %c0_i32_0 : i32, i32
  }
  func.func @transform_5(%arg0: i32) -> (i32, i32) {
    %c0_i32 = arith.constant 0 : i32
    %c0_i32_0 = arith.constant 0 : i32
    %c0_i32_1 = arith.constant 0 : i32
    return %c0_i32, %c0_i32_0 : i32, i32
  }
  func.func @transform_6(%arg0: i32) -> (i32, i32) {
    %c0_i32 = arith.constant 0 : i32
    %c0_i32_0 = arith.constant 0 : i32
    %c0_i32_1 = arith.constant 0 : i32
    return %c0_i32, %c0_i32_0 : i32, i32
  }
  func.func @transform_7(%arg0: i32) -> (i32, i32) {
    %c0_i32 = arith.constant 0 : i32
    %c0_i32_0 = arith.constant 0 : i32
    %c0_i32_1 = arith.constant 0 : i32
    return %c0_i32, %c0_i32_0 : i32, i32
  }
  func.func @transform_8(%arg0: i32) -> (i32, i32) {
    %c0_i32 = arith.constant 0 : i32
    %c0_i32_0 = arith.constant 0 : i32
    return %arg0, %c0_i32 : i32, i32
  }
}

</mosaic_0001>

<sc_bundles>
// kernel: kernel.4.cloned.1.call-start
scs
__scs_entry_jumppad:
0x0: {  	(pc) =	sbr.rel $0x88, $3  }
0x1: {  	(tag) =	ssettag $0x0;
	lr =	simm.s32 $0x1  }
0x2: {  	[smem:$0x3F94] =	sst lr;
	_ =	strace $0xD0000000  }
0x3: {  	_ = 	snop  }
0x4: {  	_ = 	snop  }
0x5: {  	_ = 	snop  }
0x6: {  	_ = 	snop  }
0x7: {  	_ = 	snop  }
__scs_overlays_trampoline_lowered:
0x8: {  	[smem:$0x3FA3] =	sst s0  }
0x9: {  	[smem:$0x3FA4] =	sst s1  }
0xa: {  	[smem:$0x3FA5] =	sst s2  }
0xb: {  	[smem:$0x3FA6] =	sst s3  }
0xc: {  	[smem:$0x3FA7] =	sst s4  }
0xd: {  	[smem:$0x3FA8] =	sst s5  }
0xe: {  	[smem:$0x3FA9] =	sst s6  }
0xf: {  	[smem:$0x3FAA] =	sst s7  }
0x10: {  	[smem:$0x3FAB] =	sst s8  }
0x11: {  	[smem:$0x3FAC] =	sst s9;
	s0 =	simm.s32 @!p0 $0x0  }
0x12: {  	s1 =	sld [smem:$0x3F92];
	s0 =	simm.s32 @p0 $0x1  }
0x13: {  	[smem:$0x3FAD] =	sst s0;
	s0 =	simm.s32 @!p1 $0x0  }
0x14: {  	s2 =	sld [smem:$0x3F91];
	s0 =	simm.s32 @p1 $0x1  }
0x15: {  	[smem:$0x3FAE] =	sst s0;
	s0 =	simm.s32 @!p2 $0x0  }
0x16: {  	s3 =	sld [smem:$0x3FDB];
	s0 =	simm.s32 @p2 $0x1  }
0x17: {  	s4 =	simm.s32 $0x1BF5;
	[smem:$0x3FB0] =	sst s0  }
0x18: {  	s0 =	sld [smem:$0x3F93];
	_ =	swait.ge [sflag:s4], $0x0  }
0x19: {  	s7 =	sld [smem:$0x3F94]  }
0x1a: {  	s8 =	sadd.s32 $0xFFFFE003, lr  }
0x1b: {  	s9 =	sadd.s32 $0xFFFFFEF7, lr;
	s5 =	simm.s32 $0xFFFFFFFF;
	p2 =	slt.u32 s8, $0xFFFFF086  }
0x1c: {  	p1 =	slt.u32 s9, $0xF7A;
	s5 =	simm.s32 @!p2 $0x0  }
0x1d: {  	s5 =	simm.s32 @p1 $0x1;
	p0 =	seq.s32 s7, s2  }
0x1e: {  	s7 =	smul.u32 @!p0 $0xF7A, s2;
	p2 =	seq.s32 @!p0 s5, $0x0  }
0x1f: {  	s9 =	smul.u32 $0xF7A, s1;
	s8 =	simm.s32 @!p0 $0x1BF5;
	p2 =	por !p2, p0  }
0x20: {  	[sflag:s8] =	ssyncset.s32 @!p0 $0xFFFFF086;
	s6 =	sadd.s32 @!p0 s3, s7;
	s7 =	simm.s32 @!p0 $0x108  }
0x21: {  	s3 =	sadd.s32 s3, s9;
	s6 =	sadd.s32 @!p0 $0x88, s6;
	s7 =	simm.s32 @p2 $0x1082  }
0x22: {  	[simem:s7], [sflag:s8] =	dma.local @!p0 [hbm:s6], $0xF7A  }
0x23: {  	s9 =	sor.u32 $0xD0000000, s2;
	s6 =	simm.s32 $0x108;
	_ =	swait.ge @!p0 [sflag:s8], $0x0  }
0x24: {  	s3 =	sadd.s32 $0x88, s3;
	s6 =	simm.s32 @!p1 $0x1082;
	[sflag:s4] =	ssyncset.s32 $0xFFFFF086  }
0x25: {  	[simem:s6], [sflag:s4] =	dma.local [hbm:s3], $0xF7A  }
0x26: {  	[smem:$0x3F94] =	sst s1;
	(tag) =	ssettag s2;
	_ =	strace s9  }
0x27: {  	s1 =	sld [smem:$0x3FA4]  }
0x28: {  	s2 =	sld [smem:$0x3FA5]  }
0x29: {  	s4 =	sld [smem:$0x3FA7]  }
0x2a: {  	p0 =	seq.s32 s5, $0x0;
	s5 =	sld [smem:$0x3FA8]  }
0x2b: {  	s6 =	sld [smem:$0x3FA9]  }
0x2c: {  	s7 =	sld [smem:$0x3FAA]  }
0x2d: {  	s3 =	simm.s32 $0x108;
	s8 =	sld [smem:$0x3FAB]  }
0x2e: {  	s3 =	simm.s32 @!p0 $0x1082;
	s9 =	sld [smem:$0x3FAC]  }
0x2f: {  	lr =	sadd.s32 s0, s3;
	s0 =	sld [smem:$0x3FA3]  }
0x30: {  	s3 =	sld [smem:$0x3FA6]  }
0x31: {  	[smem:$0x3FAF] =	sst s10  }
0x32: {  	s10 =	sld [smem:$0x3FAD];
	_ =	sdelay $0x3  }
0x33: {  	p0 =	seq.s32 s10, $0x1;
	s10 =	sld [smem:$0x3FAF];
	_ =	sdelay $0x3  }
0x34: {  	[smem:$0x3FAF] =	sst s10  }
0x35: {  	s10 =	sld [smem:$0x3FAE];
	_ =	sdelay $0x3  }
0x36: {  	p1 =	seq.s32 s10, $0x1;
	s10 =	sld [smem:$0x3FAF];
	_ =	sdelay $0x3  }
0x37: {  	[smem:$0x3FAF] =	sst s10  }
0x38: {  	s10 =	sld [smem:$0x3FB0]  }
0x39: {  	_ = 	snop;
	(pc) =	sbr.ind lr, $3  }
0x3a: {  	_ = 	snop  }
0x3b: {  	_ = 	snop  }
0x3c: {  	p2 =	seq.s32 s10, $0x1;
	s10 =	sld [smem:$0x3FAF]  }
0x3d: {  	_ =	shalt  }
0x3e: {  	_ =	shalt  }
0x3f: {  	_ =	shalt  }
0x40: {  	_ =	shalt  }
0x41: {  	_ =	shalt  }
0x42: {  	_ =	shalt  }
0x43: {  	_ =	shalt  }
0x44: {  	_ =	shalt  }
0x45: {  	_ =	shalt  }
0x46: {  	_ =	shalt  }
0x47: {  	_ =	shalt  }
0x48: {  	_ =	shalt  }
0x49: {  	_ =	shalt  }
0x4a: {  	_ =	shalt  }
0x4b: {  	_ =	shalt  }
0x4c: {  	_ =	shalt  }
0x4d: {  	_ =	shalt  }
0x4e: {  	_ =	shalt  }
0x4f: {  	_ =	shalt  }
0x50: {  	_ =	shalt  }
0x51: {  	_ =	shalt  }
0x52: {  	_ =	shalt  }
0x53: {  	_ =	shalt  }
0x54: {  	_ =	shalt  }
0x55: {  	_ =	shalt  }
0x56: {  	_ =	shalt  }
0x57: {  	_ =	shalt  }
0x58: {  	_ =	shalt  }
0x59: {  	_ =	shalt  }
0x5a: {  	_ =	shalt  }
0x5b: {  	_ =	shalt  }
0x5c: {  	_ =	shalt  }
0x5d: {  	_ =	shalt  }
0x5e: {  	_ =	shalt  }
0x5f: {  	_ =	shalt  }
0x60: {  	_ =	shalt  }
0x61: {  	_ =	shalt  }
0x62: {  	_ =	shalt  }
0x63: {  	_ =	shalt  }
0x64: {  	_ =	shalt  }
0x65: {  	_ =	shalt  }
0x66: {  	_ =	shalt  }
0x67: {  	_ =	shalt  }
0x68: {  	_ =	shalt  }
0x69: {  	_ =	shalt  }
0x6a: {  	_ =	shalt  }
0x6b: {  	_ =	shalt  }
0x6c: {  	_ =	shalt  }
0x6d: {  	_ =	shalt  }
0x6e: {  	_ =	shalt  }
0x6f: {  	_ =	shalt  }
0x70: {  	_ =	shalt  }
0x71: {  	_ =	shalt  }
0x72: {  	_ =	shalt  }
0x73: {  	_ =	shalt  }
0x74: {  	_ =	shalt  }
0x75: {  	_ =	shalt  }
0x76: {  	_ =	shalt  }
0x77: {  	_ =	shalt  }
0x78: {  	_ =	shalt  }
0x79: {  	_ =	shalt  }
0x7a: {  	_ =	shalt  }
0x7b: {  	_ =	shalt  }
0x7c: {  	_ =	shalt  }
0x7d: {  	_ =	shalt  }
0x7e: {  	_ =	shalt  }
0x7f: {  	_ =	shalt  }
0x80: {  	_ =	shalt  }
0x81: {  	_ =	shalt  }
0x82: {  	_ =	shalt  }
0x83: {  	_ =	shalt  }
0x84: {  	_ =	shalt  }
0x85: {  	_ =	shalt  }
0x86: {  	_ =	shalt  }
0x87: {  	_ =	shalt  }
.Lfunc_end0:
.L_simem_size_0:
called_computation_lowered:
.L_overlay_start_0:
0x88: {  	s2 =	sld [smem:$0x3FD9]  }
0x89: {  	s3 =	sld [smem:$0x3FFE];
	_ =	sdelay $0x1  }
0x8a: {  	s1 =	srdreg.scid  }
0x8b: {  	s0 =	sand.u32 $0x1, s1  }
0x8c: {  	s14 =	sshll.u32 s0, $0xA;
	s2 =	sadd.s32 s3, s2  }
0x8d: {  	s2 =	sadd.s32 s2, s14  }
0x8e: {  	[smem:$0x3FBB] =	sst s2  }
0x8f: {  	_ = 	snop  }
0x90: {  	s2 =	sld [smem:$0x3FD0];
	_ =	sdelay $0x2  }
0x91: {  	s4 =	simm.s32 $0xA;
	s5 =	simm.s32 $0x10;
	s15 =	sld [smem:$0x3FC9]  }
0x92: {  	[smem:s5], [sflag:s4] =	dma.local [hbm:s2], $0x1  }
0x93: {  	_ =	swait.eq [sflag:s4], $0x1  }
0x94: {  	[sflag:s4] =	ssyncset.done $0x0  }
0x95: {  	s16 =	sld [smem:$0x11];
	[sflag:s4] =	ssyncadd.s32 $0xFFFFFFFF  }
0x96: {  	s17 =	sld [smem:$0x12];
	(tm) =	ssettm $0x1  }
0x97: {  	s18 =	sld [smem:$0x3FFB];
	_ =	sdelay $0x3  }
0x98: {  	_ =	strace s18  }
0x99: {  	s5 =	sld [smem:$0x3FFC];
	_ =	sdelay $0x3  }
0x9a: {  	_ =	strace s5  }
0x9b: {  	s5 =	sld [smem:$0x3FFD];
	_ =	sdelay $0x3  }
0x9c: {  	_ =	strace s5  }
0x9d: {  	_ =	strace $0x8FFFFFFF  }
0x9e: {  	s19 =	sld [smem:$0x3FDB];
	_ =	sdelay $0x1  }
0x9f: {  	s6 =	simm.s32 $_scs_section_size  }
0xa0: {  	s7 =	simm.s32 $_size__tile_overlayer_lowered;
	s8 =	simm.s32 $_tile_overlayer_lowered  }
0xa1: {  	s22 =	simm.s32 $0x1BFF;
	s21 =	sshll.u32 s8, $0x1;
	s5 =	sadd.s32 s6, s19  }
0xa2: {  	s9 =	simm.s32 $0x0;
	s20 =	sshll.u32 s7, $0x1;
	s7 =	sadd.s32 s21, s5  }
0xa3: {  	[timem:s9], [sflag:s22] =	dma.local [hbm:s7], s20  }
0xa4: {  	_ =	swait.ge [sflag:s22], s20  }
0xa5: {  	s6 =	ssub.s32 $0x0, s20;
	[sflag:s22] =	ssyncset.done $0x0  }
0xa6: {  	[sflag:s22] =	ssyncadd.s32 s6;
	_ =	sdelay $0x1  }
0xa7: {  	s23 =	simm.s32 $0x1B8B  }
0xa8: {  	_ =	swait.ge [sflag:s23], $0x1  }
0xa9: {  	[sflag:s23] =	ssyncset.done $0x0  }
0xaa: {  	s25 =	simm.s32 $0x1B8E;
	s24 =	sld [smem:$0x3FFE];
	[sflag:s23] =	ssyncadd.s32 $0xFFFFFFFF  }
0xab: {  	s26 =	simm.s32 $execute0_lowered;
	[smem:$0x3FD2] =	sst s25  }
0xac: {  	s7 =	sshll.u32 s26, $0x1;
	_ =	strace $0x80000046;
	[dreg:$0x1] =	wrdreg $0xFFFFFFFF  }
0xad: {  	s28 =	simm.s32 $_size_execute0_lowered;
	s5 =	sadd.s32 s5, s7;
	[dreg:$0x0] =	wrdreg $0x0  }
0xae: {  	s7 =	sshll.u32 s28, $0x1;
	[dreg:$0x2] =	wrdreg s5  }
0xaf: {  	[dreg:$0x3] =	wrdreg s7  }
0xb0: {  	[dreg:$0x4] =	wrdreg $0xC0  }
0xb1: {  	_ =	task [dreg:s9], $0x5FFFF  }
0xb2: {  	[dreg:$0x1] =	wrdreg $0xFFFFFFFF  }
0xb3: {  	[dreg:$0x0] =	wrdreg $0x60  }
0xb4: {  	[dreg:$0x2] =	wrdreg s15  }
0xb5: {  	[dreg:$0x3] =	wrdreg s17  }
0xb6: {  	[dreg:$0x4] =	wrdreg s16  }
0xb7: {  	[dreg:$0x5] =	wrdreg s24  }
0xb8: {  	[dreg:$0x6] =	wrdreg $0x9  }
0xb9: {  	_ =	task.clear_ibuf [dreg:s9], $0x7FFFF;
	_ =	strace $0x90000046  }
0xba: {  	s29 =	simm.s32 $0x9;
	_ =	strace $0x80000048  }
0xbb: {  	_ =	swait.ge [sflag:s29], $0x1  }
0xbc: {  	[sflag:s29] =	ssyncadd.s32 $0xFFFFFFFF  }
0xbd: {  	_ =	strace $0x90000048  }
0xbe: {  	_ =	sfence  }
0xbf: {  	s30 =	sld [smem:$0x0];
	_ =	sdelay $0x2  }
0xc0: {  	s31 =	sshll.u32 s1, $0xD;
	s1 =	sshrl.u32 s1, $0x2  }
0xc1: {  	s3 =	sand.u32 $0x4000, s31;
	s1 =	sadd.s32 s1, s30  }
0xc2: {  	s0 =	sor.u32 s3, s0;
	s1 =	sshll.u32 s1, $0x11  }
0xc3: {  	s0 =	sor.u32 s1, s0  }
0xc4: {  	s0 =	sadd.s32 $0x8F2B, s0  }
0xc5: {  	[sflag:s0] =	ssyncadd.remote.s32 $0x1  }
0xc6: {  	_ =	sfence.sel $0xFFFF  }
0xc7: {  	[dreg:$0x0] =	wrdreg $0xFFFFFFFF;
	(pc) =	sbr.abs _section_cstart, $3  }
0xc8: {  	[dreg:$0x1] =	wrdreg $0xFFFFFFFF  }
0xc9: {  	_ =	task.clear_ibuf [dreg:s9], $0x2FFFF;
	_ =	strace $0x9FFFFFFF  }
0xca: {  	(tm) =	ssettm $0x7FFFFFFF  }
0xcb: {  	_ =	shalt  }
tec
execute0_lowered:
.L_overlay_start_1:
0x0: {  	(tag) =	ssettag $0x1  }
0x1: {  	s4 =	rddreg [dreg:$0x0]  }
0x2: {  	s1 =	rddreg [dreg:$0x1]  }
0x3: {  	s5 =	rddreg [dreg:$0x2]  }
0x4: {  	s6 =	rddreg [dreg:$0x3]  }
0x5: {  	s0 =	rddreg [dreg:$0x4]  }
0x6: {  	s7 =	srdreg.scid;
	s2 =	stileid.u32  }
0x7: {  	s3 =	simm.s32 $0x0;
	s11 =	simm.s32 $0xE00;
	s12 =	simm.s32 $0x0  }
0x8: {  	s7 =	sand.u32 $0x1, s7;
	s8 =	sshll.u32 s2, $0x1;
	[smem:$0x7FF] =	sst s3  }
0x9: {  	s8 =	sor.u32 s7, s8;
	s7 =	ssub.s32 $0x2, s7;
	_ =	strace $0x80000047  }
0xa: {  	s9 =	sshll.u32 s8, $0x8;
	s10 =	sshrl.u32 s7, $0x1;
	s8 =	sshll.u32 s8, $0x6  }
0xb: {  	s6 =	sadd.s32 s9, s6;
	s7 =	ssub.s32 s7, s10;
	s4 =	sadd.s32 s4, s8  }
0xc: {  	s5 =	sadd.s32 s5, s9;
	s8 =	simm.s32 $0x1;
	s9 =	simm.s32 $0x200  }
0xd: {  	v0 =	vimm.f32 $3.000000000e+00;
	v1 =	vimm.f32 $0.0e+00;
	s10 =	simm.s32 $0x600;
	s6 =	sadd.s32 $0x2400, s6;
	s7 =	smax.u32 s7, $0x1  }
.LBB2_1:
0xe: {  	[tilespmem:s3], [sflag:$0x1] =	stream.linear.gather [hbm4b:s4+s3], $0x200, $0x38;
	[tilespmem:$0x1600] =	vst v63  }
0xf: {  	_ =	swait.ge [sflag:s8], $0x200  }
0x10: {  	[sflag:s8] =	ssyncset.done $0x0  }
0x11: {  	[sflag:s8] =	ssyncadd.s32 $0xFFFFFE00  }
0x12: {  	[tilespmem:s9], [sflag:$0x1] =	stream.linear.gather [hbm4b:s1+s3], $0x400, $0x38;
	[tilespmem:$0x1600] =	vst v63  }
0x13: {  	_ =	swait.ge [sflag:s8], $0x400  }
0x14: {  	[sflag:s8] =	ssyncset.done $0x0  }
0x15: {  	[sflag:s8] =	ssyncadd.s32 $0xFFFFFC00  }
0x16: {  	v2 =	vld [tilespmem:$0x200]  }
0x17: {  	v3 =	vld [tilespmem:$0x280]  }
0x18: {  	v4 =	vld [tilespmem:$0x300]  }
0x19: {  	v5 =	vld [tilespmem:$0x380]  }
0x1a: {  	s13 =	simm.s32 $0x0;
	v6 =	vld [tilespmem:$0x400]  }
0x1b: {  	v10 =	vld [tilespmem:s13+$0x0]  }
0x1c: {  	v7 =	vld [tilespmem:$0x480]  }
0x1d: {  	v8 =	vld [tilespmem:$0x500]  }
0x1e: {  	v9 =	vld [tilespmem:$0x580];
	_ =	sdelay $0x1  }
0x1f: {  	v11 =	vmul.f32 v10, v2;
	v12 =	vmul.f32 v10, v3  }
0x20: {  	v13 =	vmul.f32 v10, v4;
	v10 =	vmul.f32 v10, v5  }
0x21: {  	v11 =	vadd.f32 v11, v6;
	v12 =	vadd.f32 v12, v7  }
0x22: {  	v13 =	vadd.f32 v13, v8;
	v10 =	vadd.f32 v10, v9;
	_ =	sdelay $0x1  }
0x23: {  	v14 =	vmax.f32 v11, v12;
	v15 =	vmax.f32 v13, v10  }
0x24: {  	v14 =	vmax.f32 v14, v15  }
0x25: {  	v11 =	vsub.f32 v11, v14  }
0x26: {  	v13 =	vsub.f32 v13, v14  }
0x27: {  	v12 =	vsub.f32 v12, v14;
	v11 =	vmul.f32 $1.442695020e+00, v11  }
0x28: {  	v10 =	vsub.f32 v10, v14;
	v13 =	vmul.f32 $1.442695020e+00, v13  }
0x29: {  	v12 =	vmul.f32 $1.442695020e+00, v12;
	(erf) = vpow2.f32 v11  }
0x2a: {  	v10 =	vmul.f32 $1.442695020e+00, v10;
	(erf) = vpow2.f32 v13  }
0x2b: {  	(erf) = vpow2.f32 v12  }
0x2c: {  	(erf) = vpow2.f32 v10;
	_ =	sdelay $0x5  }
0x2d: {  	v10 =	vpop (erf)  }
0x2e: {  	v11 =	vpop (erf)  }
0x2f: {  	v13 =	vpop (erf)  }
0x30: {  	v14 =	vpop (erf)  }
0x31: {  	v12 =	vadd.f32 v13, v10;
	v15 =	vadd.f32 v14, v11;
	_ =	sdelay $0x1  }
0x32: {  	v12 =	vadd.f32 v15, v12;
	_ =	sdelay $0x1  }
0x33: {  	(erf) = vrcp.f32 v12;
	_ =	sdelay $0x8  }
0x34: {  	v15 =	vpop (erf)  }
0x35: {  	v12 =	vmul.f32 v15, v10;
	v13 =	vmul.f32 v15, v13  }
0x36: {  	v11 =	vmul.f32 v15, v11;
	v10 =	vmul.f32 v15, v14;
	_ =	sdelay $0x1  }
0x37: {  	v14 =	vmax.f32 v12, v13;
	v15 =	vmax.f32 v11, v10  }
0x38: {  	v14 =	vmax.f32 v14, v15  }
0x39: {  	vm0 =	veq.f32 v11, v14  }
0x3a: {  	s16 =	simm.s32 $0x10;
	s14 =	sand.u32 $0x600, s3;
	vm1 =	veq.f32 v13, v14;
	v15 =	vsel vm0, $0x40000000, v0  }
0x3b: {  	s17 =	simm.s32 $0x0;
	s15 =	simm.s32 $0x0;
	s13 =	sor.u32 s14, s3;
	vm0 =	veq.f32 v12, v14;
	v14 =	vsel vm1, $0x3F800000, v15  }
.LBB2_2:
0x3c: {  	p0 =	sne.s32 s16, $0x1F0  }
0x3d: {  	v14 =	vsel vm0, $0x0, v14;
	v15 =	vsel vm0, $0xBF800000, v12;
	s17 =	sadd.s32 $0x40, s17;
	s18 =	smov.u32 s16;
	s16 =	sadd.s32 $0x10, s16  }
0x3e: {  	s19 =	sand.u32 $0x600, s17;
	vm3 =	veq.f32 v14, $1.000000000e+00;
	vm1 =	veq.f32 v14, $2.000000000e+00;
	vm2 =	veq.f32 v14, $3.000000000e+00  }
0x3f: {  	s20 =	sor.u32 s19, s18;
	v14 =	vsel vm3, $0xBF800000, v13;
	v16 =	vsel vm1, $0xBF800000, v11;
	v17 =	vsel vm2, $0xBF800000, v10  }
0x40: {  	v18 =	vmax.f32 v15, v14;
	v17 =	vmax.f32 v16, v17  }
0x41: {  	v17 =	vmax.f32 v18, v17  }
0x42: {  	vm4 =	veq.f32 v15, v17;
	vm5 =	veq.f32 v14, v17;
	vm6 =	veq.f32 v16, v17  }
0x43: {  	s21 =	sand.u32 $0x70, s15;
	s15 =	smov.u32 s18;
	v14 =	vsel vm6, $0x40000000, v0;
	vm0 =	vmor vm0, vm4  }
0x44: {  	s21 =	sor.u32 s21, s14;
	s18 =	sshra.s32 s17, $0x2;
	s14 =	smov.u32 s19;
	v14 =	vsel vm5, $0x3F800000, v14;
	v15 =	vsel vm0, $0x3F800000, v1  }
0x45: {  	v14 =	vsel vm4, $0x0, v14;
	[tilespmem:s21+$0x680] =	vst v13  }
0x46: {  	[tilespmem:s21+$0x600] =	vst v12;
	vm0 =	veq.f32 v14, $1.000000000e+00;
	vm4 =	veq.f32 v14, $2.000000000e+00;
	vm5 =	veq.f32 v14, $3.000000000e+00  }
0x47: {  	vm0 =	vmor vm3, vm0;
	[tilespmem:s21+$0x700] =	vst v11;
	vm1 =	vmor vm1, vm4;
	vm2 =	vmor vm2, vm5  }
0x48: {  	[tilespmem:s21+$0xE00] =	vst v15;
	v11 =	vsel vm0, $0x3F800000, v1;
	v12 =	vsel vm1, $0x3F800000, v1  }
0x49: {  	[tilespmem:s21+$0xE80] =	vst v11  }
0x4a: {  	s19 =	sor.u32 $0x180, s13;
	s13 =	smov.u32 s20;
	[tilespmem:s21+$0xF00] =	vst v12  }
0x4b: {  	[tilespmem:s19+$0x600] =	vst v10;
	v10 =	vsel vm2, $0x3F800000, v1  }
0x4c: {  	[tilespmem:s19+$0xE00] =	vst v10  }
0x4d: {  	v10 =	vld [tilespmem:s18+$0x0];
	_ =	sdelay $0x4  }
0x4e: {  	v11 =	vmul.f32 v10, v2;
	v12 =	vmul.f32 v10, v3  }
0x4f: {  	v13 =	vmul.f32 v10, v4;
	v10 =	vmul.f32 v10, v5  }
0x50: {  	v11 =	vadd.f32 v11, v6;
	v12 =	vadd.f32 v12, v7  }
0x51: {  	v13 =	vadd.f32 v13, v8;
	v10 =	vadd.f32 v10, v9  }
0x52: {  	v14 =	vmax.f32 v11, v12  }
0x53: {  	v15 =	vmax.f32 v13, v10  }
0x54: {  	v14 =	vmax.f32 v14, v15  }
0x55: {  	v11 =	vsub.f32 v11, v14;
	v12 =	vsub.f32 v12, v14  }
0x56: {  	v13 =	vsub.f32 v13, v14;
	v10 =	vsub.f32 v10, v14  }
0x57: {  	v11 =	vmul.f32 $1.442695020e+00, v11;
	v12 =	vmul.f32 $1.442695020e+00, v12  }
0x58: {  	v13 =	vmul.f32 $1.442695020e+00, v13;
	v10 =	vmul.f32 $1.442695020e+00, v10  }
0x59: {  	(erf) = vpow2.f32 v11  }
0x5a: {  	(erf) = vpow2.f32 v13  }
0x5b: {  	(erf) = vpow2.f32 v12  }
0x5c: {  	(erf) = vpow2.f32 v10;
	_ =	sdelay $0x5  }
0x5d: {  	v10 =	vpop (erf)  }
0x5e: {  	v11 =	vpop (erf)  }
0x5f: {  	v13 =	vpop (erf)  }
0x60: {  	v12 =	vadd.f32 v13, v10;
	v14 =	vpop (erf)  }
0x61: {  	v15 =	vadd.f32 v14, v11;
	_ =	sdelay $0x1  }
0x62: {  	v12 =	vadd.f32 v15, v12;
	_ =	sdelay $0x1  }
0x63: {  	(erf) = vrcp.f32 v12;
	_ =	sdelay $0x8  }
0x64: {  	v15 =	vpop (erf)  }
0x65: {  	v12 =	vmul.f32 v15, v10;
	v13 =	vmul.f32 v15, v13  }
0x66: {  	v11 =	vmul.f32 v15, v11;
	v10 =	vmul.f32 v15, v14  }
0x67: {  	v14 =	vmax.f32 v12, v13  }
.Ltmp0:
0x68: {  	v15 =	vmax.f32 v11, v10;
	(pc) =	sbr.rel @p0 .LBB2_2-.Ltmp0, $4  }
0x69: {  	v14 =	vmax.f32 v14, v15  }
0x6a: {  	vm0 =	veq.f32 v12, v14;
	vm1 =	veq.f32 v13, v14;
	vm2 =	veq.f32 v11, v14  }
0x6b: {  	v14 =	vsel vm2, $0x40000000, v0  }
0x6c: {  	v14 =	vsel vm1, $0x3F800000, v14  }
0x6d: {  	v2 =	vsel vm0, $0x0, v14;
	v3 =	vsel vm0, $0xBF800000, v12  }
0x6e: {  	vm1 =	veq.f32 v2, $1.000000000e+00;
	vm2 =	veq.f32 v2, $2.000000000e+00;
	vm3 =	veq.f32 v2, $3.000000000e+00  }
0x6f: {  	v2 =	vsel vm1, $0xBF800000, v13;
	v4 =	vsel vm2, $0xBF800000, v11;
	v5 =	vsel vm3, $0xBF800000, v10  }
0x70: {  	v6 =	vmax.f32 v3, v2;
	v5 =	vmax.f32 v4, v5  }
0x71: {  	v5 =	vmax.f32 v6, v5  }
0x72: {  	vm4 =	veq.f32 v4, v5  }
0x73: {  	s15 =	sand.u32 $0x70, s15;
	vm5 =	veq.f32 v2, v5;
	v2 =	vsel vm4, $0x40000000, v0  }
0x74: {  	s14 =	sor.u32 s15, s14;
	vm10 =	veq.f32 v3, v5;
	v2 =	vsel vm5, $0x3F800000, v2  }
0x75: {  	[tilespmem:s14+$0x680] =	vst v13;
	v2 =	vsel vm10, $0x0, v2  }
0x76: {  	[tilespmem:s14+$0x600] =	vst v12;
	vm11 =	vmor vm0, vm10;
	vm12 =	veq.f32 v2, $1.000000000e+00  }
0x77: {  	[tilespmem:s14+$0x700] =	vst v11;
	v3 =	vsel vm11, $0x3F800000, v1;
	vm13 =	veq.f32 v2, $2.000000000e+00;
	vm1 =	vmor vm1, vm12  }
0x78: {  	[tilespmem:s14+$0xE00] =	vst v3;
	vm0 =	vmor vm2, vm13;
	v3 =	vsel vm1, $0x3F800000, v1  }
0x79: {  	vm14 =	veq.f32 v2, $3.000000000e+00;
	v2 =	vsel vm0, $0x3F800000, v1;
	[tilespmem:s14+$0xE80] =	vst v3  }
0x7a: {  	s13 =	sor.u32 $0x180, s13;
	vm15 =	vmor vm3, vm14;
	[tilespmem:s14+$0xF00] =	vst v2  }
0x7b: {  	v2 =	vsel vm15, $0x3F800000, v1;
	[tilespmem:s13+$0x600] =	vst v10  }
0x7c: {  	[tilespmem:s13+$0xE00] =	vst v2  }
0x7d: {  	[hbm4b:s5+s3] =	stream.linear.scatter [tilespmem:s10], [sflag:$0x1], $0x800, $0x38;
	[tilespmem:$0x1600] =	vst v63  }
0x7e: {  	s12 =	sadd.s32 $0x1, s12;
	_ =	swait.ge [sflag:s8], $0x800  }
0x7f: {  	p0 =	sne.s32 s12, s7;
	[sflag:s8] =	ssyncset.done $0x0  }
.Ltmp1:
0x80: {  	[sflag:s8] =	ssyncadd.s32 $0xFFFFF800;
	(pc) =	sbr.rel @p0 .LBB2_1-.Ltmp1, $4  }
0x81: {  	[hbm4b:s6+s3] =	stream.linear.scatter [tilespmem:s11], [sflag:$0x1], $0x800, $0x38;
	[tilespmem:$0x1600] =	vst v63  }
0x82: {  	_ =	swait.ge [sflag:s8], $0x800  }
0x83: {  	[sflag:s8] =	ssyncset.done $0x0  }
0x84: {  	[sflag:s8] =	ssyncadd.s32 $0xFFFFF800  }
0x85: {  	_ =	sfence.sel $0x180000  }
0x86: {  	[bflag:$0x0] =	sbarrier.arrive $0xFFFF  }
0x87: {  	p0 =	sne.s32 s2, $0x0;
	_ =	strace $0x90000047  }
0x88: {  	s0 =	sadd.s32 @!p0 $0x100000, s0;
	[bflag:$0x2] =	sbarrier.arrive $0xFFFF  }
0x89: {  	[sflag:s0] =	ssyncadd.tile.s32 @!p0 $0x1;
	_ =	shalt  }
.Lfunc_end2:
_tile_overlayer_lowered:
.L_overlay_start_2:
0x8a: {  	(tag) =	ssettag $0x2  }
0x8b: {  	s0 =	rddreg [dreg:$0x0];
	s2 =	stileid.u32  }
0x8c: {  	s1 =	rddreg [dreg:$0x1];
	p0 =	sne.s32 s2, $0x0  }
0x8d: {  	s3 =	rddreg [dreg:$0x2];
	[bflag:$0x3] =	sbarrier.arrive $0xFFFF;
	s2 =	simm.s32 @!p0 $0x1C01  }
0x8e: {  	[timem:s3], [sflag:s2] =	dma.local @!p0 [hbm:s0], s1  }
0x8f: {  	s0 =	simm.s32 @!p0 $0x1  }
0x90: {  	_ =	swait.ge @!p0 [sflag:s0], s1  }
0x91: {  	s1 =	ssub.s32 @!p0 $0x0, s1;
	[sflag:s0] =	ssyncset.done @!p0 $0x0  }
0x92: {  	[sflag:s0] =	ssyncadd.s32 @!p0 s1  }
0x93: {  	[bflag:$0x3] =	sbarrier.arrive $0xFFFF  }
0x94: {  	_ =	shalt  }

</sc_bundles>
